<compile_context>
chip_gen: v7x
topology: tpu7x:2x2x1
jax: 0.10.2.dev20260603
libtpu: 0.0.44.dev20260713+nightly
codegen_flags: <defaults>
</compile_context>

<pallas_src>
import functools

import jax
import jax.numpy as jnp
from jax import lax
from jax.experimental import pallas as pl
from jax.experimental.pallas import tpu as pltpu
from jax.experimental.pallas import tpu_sc as plsc

EMB_DIM = 64
K = 8
B = 4096
HALF = EMB_DIM // 2
D = K * EMB_DIM

NC = 2
NS = 16
NW = NC * NS
CHUNK = 32

P = 2
E = B // P
RP = 2 * E

BLK = 1024
NBLK = E // BLK


@functools.cache
def _make_sc_gather(nex, e0):
    rows_per_w = nex // NS
    nchunks = rows_per_w // CHUNK
    nrows = 2 * nex
    mesh = plsc.VectorSubcoreMesh(
        core_axis_name="c", subcore_axis_name="s", num_cores=NC, num_subcores=NS
    )

    @functools.partial(
        pl.kernel,
        mesh=mesh,
        out_type=jax.ShapeDtypeStruct((nrows, D), jnp.float32),
        scratch_types=[
            pltpu.VMEM((rows_per_w,), jnp.int32),
            pltpu.VMEM((CHUNK, D), jnp.float32),
            pltpu.VMEM((CHUNK, D), jnp.float32),
            pltpu.VMEM((CHUNK, D), jnp.float32),
            pltpu.VMEM((CHUNK, D), jnp.float32),
            pltpu.SemaphoreType.DMA,
            pltpu.SemaphoreType.DMA,
            pltpu.SemaphoreType.DMA,
            pltpu.SemaphoreType.DMA,
            pltpu.SemaphoreType.DMA,
            pltpu.SemaphoreType.DMA,
            pltpu.SemaphoreType.DMA,
            pltpu.SemaphoreType.DMA,
        ],
    )
    def gather_k(idx_hbm, table_hbm, out_hbm, idx_v,
                 buf0, buf1, buf2, buf3, g0, g1, g2, g3, w0, w1, w2, w3):
        col = lax.axis_index("c")
        sub = lax.axis_index("s")
        src0 = col * B + e0 + sub * rows_per_w
        r0 = col * nex + sub * rows_per_w
        pltpu.sync_copy(idx_hbm.at[pl.ds(src0, rows_per_w)], idx_v)
        bufs = (buf0, buf1, buf2, buf3)
        gsem = (g0, g1, g2, g3)
        wsem = (w0, w1, w2, w3)
        nbuf = len(bufs)
        gathers = [None] * nbuf
        writes = [None] * nbuf
        for k in range(nchunks):
            bsel = k % nbuf
            if writes[bsel] is not None:
                writes[bsel].wait()
            gathers[bsel] = pltpu.async_copy(
                table_hbm.at[idx_v.at[pl.ds(k * CHUNK, CHUNK)]],
                bufs[bsel],
                gsem[bsel],
            )
            oldest = k - (nbuf - 1)
            if oldest >= 0:
                osel = oldest % nbuf
                gathers[osel].wait()
                writes[osel] = pltpu.async_copy(
                    bufs[osel],
                    out_hbm.at[pl.ds(r0 + oldest * CHUNK, CHUNK)],
                    wsem[osel],
                )
        for k in range(max(0, nchunks - (nbuf - 1)), nchunks):
            osel = k % nbuf
            gathers[osel].wait()
            writes[osel] = pltpu.async_copy(
                bufs[osel],
                out_hbm.at[pl.ds(r0 + k * CHUNK, CHUNK)],
                wsem[osel],
            )
        for w in writes:
            if w is not None:
                w.wait()

    return gather_k


def _prod_sub(x):
    n = x.shape[1]
    while n > 8:
        n //= 2
        x = x[:, :n] * x[:, n:]
    x = x * pltpu.roll(x, 4, 1)
    x = x * pltpu.roll(x, 2, 1)
    x = x * pltpu.roll(x, 1, 1)
    return x


def _block_ssq(c_ref, d_ref):
    c = c_ref[...].T.reshape(K, EMB_DIM, BLK)
    d = d_ref[...].T.reshape(K, EMB_DIM, BLK)
    cc, co = c[:, :HALF], jnp.abs(c[:, HALF:])
    dc, do = d[:, :HALF], jnp.abs(d[:, HALF:])
    c_lo, c_hi = cc - co, cc + co
    d_lo, d_hi = dc - do, dc + do

    inter8 = jnp.zeros((K, BLK), jnp.float32)
    for bi in range(K):
        lo = jnp.maximum(c_lo[bi][None], d_lo)
        hi = jnp.minimum(c_hi[bi][None], d_hi)
        side = jnp.maximum(hi - lo, 0.0)
        p = _prod_sub(side)
        inter8 = inter8 + jnp.sum(p, axis=0)
    inter_area = inter8

    ca = _prod_sub(2.0 * co)
    c_area = jnp.sum(ca, axis=0)

    loses = jnp.where(
        c_area == 0.0,
        0.0,
        jnp.where(
            jnp.isinf(c_area),
            1.0 - inter_area * 0.5,
            1.0 - inter_area / c_area,
        ),
    )
    r = jnp.maximum(loses, 0.0)
    return jnp.sum(r * r) * 0.125


def _tc_partial_body(c_ref, d_ref, o_ref):
    i = pl.program_id(0)
    partial = _block_ssq(c_ref, d_ref)

    @pl.when(i == 0)
    def _init():
        o_ref[0, 0] = 0.0

    o_ref[0, 0] += partial


def _tc_final_body(prev_ref, c_ref, d_ref, o_ref):
    i = pl.program_id(0)
    partial = _block_ssq(c_ref, d_ref)

    @pl.when(i == 0)
    def _init():
        o_ref[0, 0] = prev_ref[0, 0]

    o_ref[0, 0] += partial

    @pl.when(i == NBLK - 1)
    def _fin():
        o_ref[0, 0] = jnp.sqrt(o_ref[0, 0])


_gather_specs = [
    pl.BlockSpec((BLK, D), lambda i: (i, 0)),
    pl.BlockSpec((BLK, D), lambda i: (i + NBLK, 0)),
]
_out_spec = pl.BlockSpec((1, 1), lambda i: (0, 0), memory_space=pltpu.SMEM)

_tc_partial = pl.pallas_call(
    _tc_partial_body,
    grid=(NBLK,),
    in_specs=_gather_specs,
    out_specs=_out_spec,
    out_shape=jax.ShapeDtypeStruct((1, 1), jnp.float32),
    compiler_params=pltpu.CompilerParams(
        dimension_semantics=("arbitrary",),
    ),
)

_tc_final = pl.pallas_call(
    _tc_final_body,
    grid=(NBLK,),
    in_specs=[
        pl.BlockSpec((1, 1), lambda i: (0, 0), memory_space=pltpu.SMEM)
    ] + _gather_specs,
    out_specs=_out_spec,
    out_shape=jax.ShapeDtypeStruct((1, 1), jnp.float32),
    compiler_params=pltpu.CompilerParams(
        dimension_semantics=("arbitrary",),
    ),
)


def kernel(nf1_data, class_table):
    idx = nf1_data.astype(jnp.int32)
    flat = idx.T.reshape(2 * B)
    g0 = _make_sc_gather(E, 0)(flat, class_table)
    g1 = _make_sc_gather(E, E)(flat, class_table)
    p0 = _tc_partial(g0, g0)
    res = _tc_final(p0, g1, g1)
    return res[0, 0]

# --- scband reference (transcript-rebuilt; emitter-appended) ---
"""Pipeline reference for scband-multi-box-el-89352499626003 (READ-ONLY COPY).

The authoritative reference and input builder live on the scoring server;
editing this copy changes nothing except your own understanding.
"""

import jax, jax.numpy as jnp
import numpy as np

EMBEDDING_BOUND = 1.0
NUM_CLASSES = 100000
EMB_DIM = 64
K = 8  # num_boxes_per_class
B = 4096
HALF = EMB_DIM // 2


def setup_inputs(seed: int = 0) -> dict:
    key = jax.random.key(seed)
    k1, k2, k3 = jax.random.split(key, 3)
    nf1_data = jax.random.randint(k1, (B, 2), 0, NUM_CLASSES, dtype=jnp.int64)
    # class_embeds init per torch code: for each of K boxes, first half uniform(-EMBEDDING_BOUND, EMBEDDING_BOUND)
    # (centers), second half normal(mean=1, std=0.333) (raw offsets, abs taken at use-time).
    centers = jax.random.uniform(k2, (NUM_CLASSES, K, HALF), minval=-EMBEDDING_BOUND, maxval=EMBEDDING_BOUND, dtype=jnp.float32)
    raw_offsets = 1.0 + 0.333 * jax.random.normal(k3, (NUM_CLASSES, K, HALF), dtype=jnp.float32)
    class_table = jnp.concatenate([centers, raw_offsets], axis=-1).reshape(NUM_CLASSES, K * EMB_DIM)
    return {"nf1_data": nf1_data, "class_table": class_table}


def _nf1_loss(class_table, nf1_data):
    # embedding lookup (gather) for C and D classes
    emb = class_table.reshape(NUM_CLASSES, K, EMB_DIM)
    c = jnp.take(emb, nf1_data[:, 0], axis=0)  # [B, K, EMB_DIM]
    d = jnp.take(emb, nf1_data[:, 1], axis=0)  # [B, K, EMB_DIM]
    cc, co = c[..., :HALF], jnp.abs(c[..., HALF:])
    dc, do = d[..., :HALF], jnp.abs(d[..., HALF:])
    # Multibox intersection = all pairwise box intersections: [B, K, K, HALF]
    lo = jnp.maximum((cc - co)[:, :, None, :], (dc - do)[:, None, :, :])
    hi = jnp.minimum((cc + co)[:, :, None, :], (dc + do)[:, None, :, :])
    side = jnp.maximum(hi - lo, 0.0)
    inter_area = jnp.sum(jnp.prod(side, axis=-1), axis=(1, 2))  # [B]
    # Multibox area of C = sum over boxes of prod of side lengths (2*offset)
    c_area = jnp.sum(jnp.prod(2.0 * co, axis=-1), axis=1)  # [B]
    loses = jnp.where(
        c_area == 0.0,
        0.0,
        jnp.where(
            jnp.isinf(c_area),
            1.0 - inter_area / (2.0 * EMBEDDING_BOUND),
            1.0 - inter_area / c_area,
        ),
    )
    # dist = norm(relu(loses)) reshaped [-1,1] then squeezed -> scalar
    dist = jnp.linalg.norm(jax.nn.relu(loses))
    return jnp.reshape(dist, ())


def reference(nf1_data, class_table):
    return _nf1_loss(class_table, nf1_data)

if __name__ == "__main__":
    import jax
    _d = setup_inputs()
    print(jax.jit(kernel)(*tuple(_d.values())))

</pallas_src>

<mosaic_0001>
#map = affine_map<(d0, d1) -> (0)>
#map1 = affine_map<(d0, d1) -> (0, 0)>
module attributes {stable_mosaic.version = 14 : i64} {
  func.func @gather_k(%arg0: i32, %arg1: i32, %arg2: memref<8192xi32, #tpu.memory_space<hbm>>, %arg3: memref<100000x512xf32, #tpu.memory_space<hbm>>, %arg4: memref<4096x512xf32, #tpu.memory_space<hbm>>, %arg5: memref<128xi32, #tpu.memory_space<vmem>>, %arg6: memref<32x512xf32, #tpu.memory_space<vmem>>, %arg7: memref<32x512xf32, #tpu.memory_space<vmem>>, %arg8: memref<32x512xf32, #tpu.memory_space<vmem>>, %arg9: memref<32x512xf32, #tpu.memory_space<vmem>>, %arg10: memref<!tpu.dma_semaphore, #tpu.memory_space<semaphore_mem>>, %arg11: memref<!tpu.dma_semaphore, #tpu.memory_space<semaphore_mem>>, %arg12: memref<!tpu.dma_semaphore, #tpu.memory_space<semaphore_mem>>, %arg13: memref<!tpu.dma_semaphore, #tpu.memory_space<semaphore_mem>>, %arg14: memref<!tpu.dma_semaphore, #tpu.memory_space<semaphore_mem>>, %arg15: memref<!tpu.dma_semaphore, #tpu.memory_space<semaphore_mem>>, %arg16: memref<!tpu.dma_semaphore, #tpu.memory_space<semaphore_mem>>, %arg17: memref<!tpu.dma_semaphore, #tpu.memory_space<semaphore_mem>>) attributes {dimension_semantics = [#tpu.dimension_semantics<core_parallel>, #tpu.dimension_semantics<subcore_parallel>], iteration_bounds = array<i64: 2, 16>, scalar_prefetch = 0 : i64, scratch_operands = 13 : i64, tpu.core_type = #tpu.core_type<sc_vector_subcore>, window_params = [{transform_indices = #map}, {transform_indices = #map1}, {transform_indices = #map1}]} {
    %mul3A = arith.constant 4096 : i32
    %mul3A_0 = arith.muli %arg0, %mul3A : i32
    %add3A = arith.constant 2048 : i32
    %add3A_1 = arith.addi %mul3A_0, %add3A : i32
    %mul3A_2 = arith.constant 128 : i32
    %mul3A_3 = arith.muli %arg1, %mul3A_2 : i32
    %add3A_4 = arith.addi %add3A_1, %mul3A_3 : i32
    %mul3A_5 = arith.constant 2048 : i32
    %mul3A_6 = arith.muli %arg0, %mul3A_5 : i32
    %mul3A_7 = arith.constant 128 : i32
    %mul3A_8 = arith.muli %arg1, %mul3A_7 : i32
    %add3A_9 = arith.addi %mul3A_6, %mul3A_8 : i32
    "tpu.region"() ({
      %run_scoped3A = tpu.sem_alloc : memref<!tpu.dma_semaphore, #tpu.memory_space<semaphore_mem>>
      %dma_start3A_88 = tpu.memref_slice %arg2[%add3A_4] : memref<8192xi32, #tpu.memory_space<hbm>> -> memref<128xi32, #tpu.memory_space<hbm>>
      %dma_start3A_89 = tpu.memref_slice %arg2[%add3A_4] : memref<8192xi32, #tpu.memory_space<hbm>> -> memref<128xi32, #tpu.memory_space<hbm>>
      tpu.enqueue_dma source(%dma_start3A_89 : memref<128xi32, #tpu.memory_space<hbm>>) target(%arg5 : memref<128xi32, #tpu.memory_space<vmem>>) target_semaphore(%run_scoped3A : memref<!tpu.dma_semaphore, #tpu.memory_space<semaphore_mem>>)
      %dma_wait3A_90 = tpu.memref_slice %arg2[%add3A_4] : memref<8192xi32, #tpu.memory_space<hbm>> -> memref<128xi32, #tpu.memory_space<hbm>>
      %dma_wait3A_91 = tpu.memref_slice %arg2[%add3A_4] : memref<8192xi32, #tpu.memory_space<hbm>> -> memref<128xi32, #tpu.memory_space<hbm>>
      tpu.wait_dma2 semaphore(%run_scoped3A : memref<!tpu.dma_semaphore, #tpu.memory_space<semaphore_mem>>) src(%dma_wait3A_91 : memref<128xi32, #tpu.memory_space<hbm>>) dst(%arg5 : memref<128xi32, #tpu.memory_space<vmem>>)
      tpu.yield
    }) : () -> ()
    %dma_start3A = arith.constant 0 : i32
    %dma_start3A_10 = tpu.memref_slice %arg5[%dma_start3A] : memref<128xi32, #tpu.memory_space<vmem>> -> memref<32xi32, #tpu.memory_space<vmem>>
    %dma_start3A_11 = arith.constant 0 : i32
    %dma_start3A_12 = arith.constant 0 : i32
    %dma_start3A_13 = tpu.memref_slice %arg3[%dma_start3A_11, %dma_start3A_12] : memref<100000x512xf32, #tpu.memory_space<hbm>> -> memref<100000x512xf32, #tpu.memory_space<hbm>>
    tpu.enqueue_indirect_dma source(%dma_start3A_13 : memref<100000x512xf32, #tpu.memory_space<hbm>>) target(%arg6 : memref<32x512xf32, #tpu.memory_space<vmem>>) offsets(%dma_start3A_10 : memref<32xi32, #tpu.memory_space<vmem>>) semaphore(%arg10 : memref<!tpu.dma_semaphore, #tpu.memory_space<semaphore_mem>>)
    %dma_start3A_14 = arith.constant 32 : i32
    %dma_start3A_15 = tpu.memref_slice %arg5[%dma_start3A_14] : memref<128xi32, #tpu.memory_space<vmem>> -> memref<32xi32, #tpu.memory_space<vmem>>
    %dma_start3A_16 = arith.constant 0 : i32
    %dma_start3A_17 = arith.constant 0 : i32
    %dma_start3A_18 = tpu.memref_slice %arg3[%dma_start3A_16, %dma_start3A_17] : memref<100000x512xf32, #tpu.memory_space<hbm>> -> memref<100000x512xf32, #tpu.memory_space<hbm>>
    tpu.enqueue_indirect_dma source(%dma_start3A_18 : memref<100000x512xf32, #tpu.memory_space<hbm>>) target(%arg7 : memref<32x512xf32, #tpu.memory_space<vmem>>) offsets(%dma_start3A_15 : memref<32xi32, #tpu.memory_space<vmem>>) semaphore(%arg11 : memref<!tpu.dma_semaphore, #tpu.memory_space<semaphore_mem>>)
    %dma_start3A_19 = arith.constant 64 : i32
    %dma_start3A_20 = tpu.memref_slice %arg5[%dma_start3A_19] : memref<128xi32, #tpu.memory_space<vmem>> -> memref<32xi32, #tpu.memory_space<vmem>>
    %dma_start3A_21 = arith.constant 0 : i32
    %dma_start3A_22 = arith.constant 0 : i32
    %dma_start3A_23 = tpu.memref_slice %arg3[%dma_start3A_21, %dma_start3A_22] : memref<100000x512xf32, #tpu.memory_space<hbm>> -> memref<100000x512xf32, #tpu.memory_space<hbm>>
    tpu.enqueue_indirect_dma source(%dma_start3A_23 : memref<100000x512xf32, #tpu.memory_space<hbm>>) target(%arg8 : memref<32x512xf32, #tpu.memory_space<vmem>>) offsets(%dma_start3A_20 : memref<32xi32, #tpu.memory_space<vmem>>) semaphore(%arg12 : memref<!tpu.dma_semaphore, #tpu.memory_space<semaphore_mem>>)
    %dma_start3A_24 = arith.constant 96 : i32
    %dma_start3A_25 = tpu.memref_slice %arg5[%dma_start3A_24] : memref<128xi32, #tpu.memory_space<vmem>> -> memref<32xi32, #tpu.memory_space<vmem>>
    %dma_start3A_26 = arith.constant 0 : i32
    %dma_start3A_27 = arith.constant 0 : i32
    %dma_start3A_28 = tpu.memref_slice %arg3[%dma_start3A_26, %dma_start3A_27] : memref<100000x512xf32, #tpu.memory_space<hbm>> -> memref<100000x512xf32, #tpu.memory_space<hbm>>
    tpu.enqueue_indirect_dma source(%dma_start3A_28 : memref<100000x512xf32, #tpu.memory_space<hbm>>) target(%arg9 : memref<32x512xf32, #tpu.memory_space<vmem>>) offsets(%dma_start3A_25 : memref<32xi32, #tpu.memory_space<vmem>>) semaphore(%arg13 : memref<!tpu.dma_semaphore, #tpu.memory_space<semaphore_mem>>)
    %dma_wait3A = arith.constant 0 : i32
    %dma_wait3A_29 = tpu.memref_slice %arg5[%dma_wait3A] : memref<128xi32, #tpu.memory_space<vmem>> -> memref<32xi32, #tpu.memory_space<vmem>>
    %dma_wait3A_30 = arith.constant 0 : i32
    %dma_wait3A_31 = arith.constant 0 : i32
    %dma_wait3A_32 = tpu.memref_slice %arg3[%dma_wait3A_30, %dma_wait3A_31] : memref<100000x512xf32, #tpu.memory_space<hbm>> -> memref<100000x512xf32, #tpu.memory_space<hbm>>
    tpu.wait_indirect_dma semaphore(%arg10 : memref<!tpu.dma_semaphore, #tpu.memory_space<semaphore_mem>>) src(%dma_wait3A_32 : memref<100000x512xf32, #tpu.memory_space<hbm>>) dst(%arg6 : memref<32x512xf32, #tpu.memory_space<vmem>>)
    %add3A_33 = arith.constant 0 : i32
    %add3A_34 = arith.addi %add3A_9, %add3A_33 : i32
    %dma_start3A_35 = arith.constant 0 : i32
    %dma_start3A_36 = tpu.memref_slice %arg4[%add3A_34, %dma_start3A_35] : memref<4096x512xf32, #tpu.memory_space<hbm>> -> memref<32x512xf32, #tpu.memory_space<hbm>>
    %dma_start3A_37 = arith.constant 0 : i32
    %dma_start3A_38 = tpu.memref_slice %arg4[%add3A_34, %dma_start3A_37] : memref<4096x512xf32, #tpu.memory_space<hbm>> -> memref<32x512xf32, #tpu.memory_space<hbm>>
    tpu.enqueue_dma source(%arg6 : memref<32x512xf32, #tpu.memory_space<vmem>>) target(%dma_start3A_38 : memref<32x512xf32, #tpu.memory_space<hbm>>) target_semaphore(%arg14 : memref<!tpu.dma_semaphore, #tpu.memory_space<semaphore_mem>>)
    %dma_wait3A_39 = arith.constant 32 : i32
    %dma_wait3A_40 = tpu.memref_slice %arg5[%dma_wait3A_39] : memref<128xi32, #tpu.memory_space<vmem>> -> memref<32xi32, #tpu.memory_space<vmem>>
    %dma_wait3A_41 = arith.constant 0 : i32
    %dma_wait3A_42 = arith.constant 0 : i32
    %dma_wait3A_43 = tpu.memref_slice %arg3[%dma_wait3A_41, %dma_wait3A_42] : memref<100000x512xf32, #tpu.memory_space<hbm>> -> memref<100000x512xf32, #tpu.memory_space<hbm>>
    tpu.wait_indirect_dma semaphore(%arg11 : memref<!tpu.dma_semaphore, #tpu.memory_space<semaphore_mem>>) src(%dma_wait3A_43 : memref<100000x512xf32, #tpu.memory_space<hbm>>) dst(%arg7 : memref<32x512xf32, #tpu.memory_space<vmem>>)
    %add3A_44 = arith.constant 32 : i32
    %add3A_45 = arith.addi %add3A_9, %add3A_44 : i32
    %dma_start3A_46 = arith.constant 0 : i32
    %dma_start3A_47 = tpu.memref_slice %arg4[%add3A_45, %dma_start3A_46] : memref<4096x512xf32, #tpu.memory_space<hbm>> -> memref<32x512xf32, #tpu.memory_space<hbm>>
    %dma_start3A_48 = arith.constant 0 : i32
    %dma_start3A_49 = tpu.memref_slice %arg4[%add3A_45, %dma_start3A_48] : memref<4096x512xf32, #tpu.memory_space<hbm>> -> memref<32x512xf32, #tpu.memory_space<hbm>>
    tpu.enqueue_dma source(%arg7 : memref<32x512xf32, #tpu.memory_space<vmem>>) target(%dma_start3A_49 : memref<32x512xf32, #tpu.memory_space<hbm>>) target_semaphore(%arg15 : memref<!tpu.dma_semaphore, #tpu.memory_space<semaphore_mem>>)
    %dma_wait3A_50 = arith.constant 64 : i32
    %dma_wait3A_51 = tpu.memref_slice %arg5[%dma_wait3A_50] : memref<128xi32, #tpu.memory_space<vmem>> -> memref<32xi32, #tpu.memory_space<vmem>>
    %dma_wait3A_52 = arith.constant 0 : i32
    %dma_wait3A_53 = arith.constant 0 : i32
    %dma_wait3A_54 = tpu.memref_slice %arg3[%dma_wait3A_52, %dma_wait3A_53] : memref<100000x512xf32, #tpu.memory_space<hbm>> -> memref<100000x512xf32, #tpu.memory_space<hbm>>
    tpu.wait_indirect_dma semaphore(%arg12 : memref<!tpu.dma_semaphore, #tpu.memory_space<semaphore_mem>>) src(%dma_wait3A_54 : memref<100000x512xf32, #tpu.memory_space<hbm>>) dst(%arg8 : memref<32x512xf32, #tpu.memory_space<vmem>>)
    %add3A_55 = arith.constant 64 : i32
    %add3A_56 = arith.addi %add3A_9, %add3A_55 : i32
    %dma_start3A_57 = arith.constant 0 : i32
    %dma_start3A_58 = tpu.memref_slice %arg4[%add3A_56, %dma_start3A_57] : memref<4096x512xf32, #tpu.memory_space<hbm>> -> memref<32x512xf32, #tpu.memory_space<hbm>>
    %dma_start3A_59 = arith.constant 0 : i32
    %dma_start3A_60 = tpu.memref_slice %arg4[%add3A_56, %dma_start3A_59] : memref<4096x512xf32, #tpu.memory_space<hbm>> -> memref<32x512xf32, #tpu.memory_space<hbm>>
    tpu.enqueue_dma source(%arg8 : memref<32x512xf32, #tpu.memory_space<vmem>>) target(%dma_start3A_60 : memref<32x512xf32, #tpu.memory_space<hbm>>) target_semaphore(%arg16 : memref<!tpu.dma_semaphore, #tpu.memory_space<semaphore_mem>>)
    %dma_wait3A_61 = arith.constant 96 : i32
    %dma_wait3A_62 = tpu.memref_slice %arg5[%dma_wait3A_61] : memref<128xi32, #tpu.memory_space<vmem>> -> memref<32xi32, #tpu.memory_space<vmem>>
    %dma_wait3A_63 = arith.constant 0 : i32
    %dma_wait3A_64 = arith.constant 0 : i32
    %dma_wait3A_65 = tpu.memref_slice %arg3[%dma_wait3A_63, %dma_wait3A_64] : memref<100000x512xf32, #tpu.memory_space<hbm>> -> memref<100000x512xf32, #tpu.memory_space<hbm>>
    tpu.wait_indirect_dma semaphore(%arg13 : memref<!tpu.dma_semaphore, #tpu.memory_space<semaphore_mem>>) src(%dma_wait3A_65 : memref<100000x512xf32, #tpu.memory_space<hbm>>) dst(%arg9 : memref<32x512xf32, #tpu.memory_space<vmem>>)
    %add3A_66 = arith.constant 96 : i32
    %add3A_67 = arith.addi %add3A_9, %add3A_66 : i32
    %dma_start3A_68 = arith.constant 0 : i32
    %dma_start3A_69 = tpu.memref_slice %arg4[%add3A_67, %dma_start3A_68] : memref<4096x512xf32, #tpu.memory_space<hbm>> -> memref<32x512xf32, #tpu.memory_space<hbm>>
    %dma_start3A_70 = arith.constant 0 : i32
    %dma_start3A_71 = tpu.memref_slice %arg4[%add3A_67, %dma_start3A_70] : memref<4096x512xf32, #tpu.memory_space<hbm>> -> memref<32x512xf32, #tpu.memory_space<hbm>>
    tpu.enqueue_dma source(%arg9 : memref<32x512xf32, #tpu.memory_space<vmem>>) target(%dma_start3A_71 : memref<32x512xf32, #tpu.memory_space<hbm>>) target_semaphore(%arg17 : memref<!tpu.dma_semaphore, #tpu.memory_space<semaphore_mem>>)
    %dma_wait3A_72 = arith.constant 0 : i32
    %dma_wait3A_73 = tpu.memref_slice %arg4[%add3A_34, %dma_wait3A_72] : memref<4096x512xf32, #tpu.memory_space<hbm>> -> memref<32x512xf32, #tpu.memory_space<hbm>>
    %dma_wait3A_74 = arith.constant 0 : i32
    %dma_wait3A_75 = tpu.memref_slice %arg4[%add3A_34, %dma_wait3A_74] : memref<4096x512xf32, #tpu.memory_space<hbm>> -> memref<32x512xf32, #tpu.memory_space<hbm>>
    tpu.wait_dma2 semaphore(%arg14 : memref<!tpu.dma_semaphore, #tpu.memory_space<semaphore_mem>>) src(%arg6 : memref<32x512xf32, #tpu.memory_space<vmem>>) dst(%dma_wait3A_75 : memref<32x512xf32, #tpu.memory_space<hbm>>)
    %dma_wait3A_76 = arith.constant 0 : i32
    %dma_wait3A_77 = tpu.memref_slice %arg4[%add3A_45, %dma_wait3A_76] : memref<4096x512xf32, #tpu.memory_space<hbm>> -> memref<32x512xf32, #tpu.memory_space<hbm>>
    %dma_wait3A_78 = arith.constant 0 : i32
    %dma_wait3A_79 = tpu.memref_slice %arg4[%add3A_45, %dma_wait3A_78] : memref<4096x512xf32, #tpu.memory_space<hbm>> -> memref<32x512xf32, #tpu.memory_space<hbm>>
    tpu.wait_dma2 semaphore(%arg15 : memref<!tpu.dma_semaphore, #tpu.memory_space<semaphore_mem>>) src(%arg7 : memref<32x512xf32, #tpu.memory_space<vmem>>) dst(%dma_wait3A_79 : memref<32x512xf32, #tpu.memory_space<hbm>>)
    %dma_wait3A_80 = arith.constant 0 : i32
    %dma_wait3A_81 = tpu.memref_slice %arg4[%add3A_56, %dma_wait3A_80] : memref<4096x512xf32, #tpu.memory_space<hbm>> -> memref<32x512xf32, #tpu.memory_space<hbm>>
    %dma_wait3A_82 = arith.constant 0 : i32
    %dma_wait3A_83 = tpu.memref_slice %arg4[%add3A_56, %dma_wait3A_82] : memref<4096x512xf32, #tpu.memory_space<hbm>> -> memref<32x512xf32, #tpu.memory_space<hbm>>
    tpu.wait_dma2 semaphore(%arg16 : memref<!tpu.dma_semaphore, #tpu.memory_space<semaphore_mem>>) src(%arg8 : memref<32x512xf32, #tpu.memory_space<vmem>>) dst(%dma_wait3A_83 : memref<32x512xf32, #tpu.memory_space<hbm>>)
    %dma_wait3A_84 = arith.constant 0 : i32
    %dma_wait3A_85 = tpu.memref_slice %arg4[%add3A_67, %dma_wait3A_84] : memref<4096x512xf32, #tpu.memory_space<hbm>> -> memref<32x512xf32, #tpu.memory_space<hbm>>
    %dma_wait3A_86 = arith.constant 0 : i32
    %dma_wait3A_87 = tpu.memref_slice %arg4[%add3A_67, %dma_wait3A_86] : memref<4096x512xf32, #tpu.memory_space<hbm>> -> memref<32x512xf32, #tpu.memory_space<hbm>>
    tpu.wait_dma2 semaphore(%arg17 : memref<!tpu.dma_semaphore, #tpu.memory_space<semaphore_mem>>) src(%arg9 : memref<32x512xf32, #tpu.memory_space<vmem>>) dst(%dma_wait3A_87 : memref<32x512xf32, #tpu.memory_space<hbm>>)
    return
  }
}

#map = affine_map<(d0, d1) -> (0)>
#map1 = affine_map<(d0, d1) -> (0, 0)>
module attributes {stable_mosaic.version = 14 : i64} {
  func.func @gather_k(%arg0: i32, %arg1: i32, %arg2: memref<8192xi32, #tpu.memory_space<hbm>>, %arg3: memref<100000x512xf32, #tpu.memory_space<hbm>>, %arg4: memref<4096x512xf32, #tpu.memory_space<hbm>>, %arg5: memref<128xi32, #tpu.memory_space<vmem>>, %arg6: memref<32x512xf32, #tpu.memory_space<vmem>>, %arg7: memref<32x512xf32, #tpu.memory_space<vmem>>, %arg8: memref<32x512xf32, #tpu.memory_space<vmem>>, %arg9: memref<32x512xf32, #tpu.memory_space<vmem>>, %arg10: memref<!tpu.dma_semaphore, #tpu.memory_space<semaphore_mem>>, %arg11: memref<!tpu.dma_semaphore, #tpu.memory_space<semaphore_mem>>, %arg12: memref<!tpu.dma_semaphore, #tpu.memory_space<semaphore_mem>>, %arg13: memref<!tpu.dma_semaphore, #tpu.memory_space<semaphore_mem>>, %arg14: memref<!tpu.dma_semaphore, #tpu.memory_space<semaphore_mem>>, %arg15: memref<!tpu.dma_semaphore, #tpu.memory_space<semaphore_mem>>, %arg16: memref<!tpu.dma_semaphore, #tpu.memory_space<semaphore_mem>>, %arg17: memref<!tpu.dma_semaphore, #tpu.memory_space<semaphore_mem>>) attributes {dimension_semantics = [#tpu.dimension_semantics<core_parallel>, #tpu.dimension_semantics<subcore_parallel>], iteration_bounds = array<i64: 2, 16>, scalar_prefetch = 0 : i64, scratch_operands = 13 : i64, tpu.core_type = #tpu.core_type<sc_vector_subcore>, window_params = [{transform_indices = #map}, {transform_indices = #map1}, {transform_indices = #map1}]} {
    %mul3A = arith.constant 4096 : i32
    %mul3A_0 = arith.muli %arg0, %mul3A : i32
    %add3A = arith.constant 0 : i32
    %add3A_1 = arith.addi %mul3A_0, %add3A : i32
    %mul3A_2 = arith.constant 128 : i32
    %mul3A_3 = arith.muli %arg1, %mul3A_2 : i32
    %add3A_4 = arith.addi %add3A_1, %mul3A_3 : i32
    %mul3A_5 = arith.constant 2048 : i32
    %mul3A_6 = arith.muli %arg0, %mul3A_5 : i32
    %mul3A_7 = arith.constant 128 : i32
    %mul3A_8 = arith.muli %arg1, %mul3A_7 : i32
    %add3A_9 = arith.addi %mul3A_6, %mul3A_8 : i32
    "tpu.region"() ({
      %run_scoped3A = tpu.sem_alloc : memref<!tpu.dma_semaphore, #tpu.memory_space<semaphore_mem>>
      %dma_start3A_88 = tpu.memref_slice %arg2[%add3A_4] : memref<8192xi32, #tpu.memory_space<hbm>> -> memref<128xi32, #tpu.memory_space<hbm>>
      %dma_start3A_89 = tpu.memref_slice %arg2[%add3A_4] : memref<8192xi32, #tpu.memory_space<hbm>> -> memref<128xi32, #tpu.memory_space<hbm>>
      tpu.enqueue_dma source(%dma_start3A_89 : memref<128xi32, #tpu.memory_space<hbm>>) target(%arg5 : memref<128xi32, #tpu.memory_space<vmem>>) target_semaphore(%run_scoped3A : memref<!tpu.dma_semaphore, #tpu.memory_space<semaphore_mem>>)
      %dma_wait3A_90 = tpu.memref_slice %arg2[%add3A_4] : memref<8192xi32, #tpu.memory_space<hbm>> -> memref<128xi32, #tpu.memory_space<hbm>>
      %dma_wait3A_91 = tpu.memref_slice %arg2[%add3A_4] : memref<8192xi32, #tpu.memory_space<hbm>> -> memref<128xi32, #tpu.memory_space<hbm>>
      tpu.wait_dma2 semaphore(%run_scoped3A : memref<!tpu.dma_semaphore, #tpu.memory_space<semaphore_mem>>) src(%dma_wait3A_91 : memref<128xi32, #tpu.memory_space<hbm>>) dst(%arg5 : memref<128xi32, #tpu.memory_space<vmem>>)
      tpu.yield
    }) : () -> ()
    %dma_start3A = arith.constant 0 : i32
    %dma_start3A_10 = tpu.memref_slice %arg5[%dma_start3A] : memref<128xi32, #tpu.memory_space<vmem>> -> memref<32xi32, #tpu.memory_space<vmem>>
    %dma_start3A_11 = arith.constant 0 : i32
    %dma_start3A_12 = arith.constant 0 : i32
    %dma_start3A_13 = tpu.memref_slice %arg3[%dma_start3A_11, %dma_start3A_12] : memref<100000x512xf32, #tpu.memory_space<hbm>> -> memref<100000x512xf32, #tpu.memory_space<hbm>>
    tpu.enqueue_indirect_dma source(%dma_start3A_13 : memref<100000x512xf32, #tpu.memory_space<hbm>>) target(%arg6 : memref<32x512xf32, #tpu.memory_space<vmem>>) offsets(%dma_start3A_10 : memref<32xi32, #tpu.memory_space<vmem>>) semaphore(%arg10 : memref<!tpu.dma_semaphore, #tpu.memory_space<semaphore_mem>>)
    %dma_start3A_14 = arith.constant 32 : i32
    %dma_start3A_15 = tpu.memref_slice %arg5[%dma_start3A_14] : memref<128xi32, #tpu.memory_space<vmem>> -> memref<32xi32, #tpu.memory_space<vmem>>
    %dma_start3A_16 = arith.constant 0 : i32
    %dma_start3A_17 = arith.constant 0 : i32
    %dma_start3A_18 = tpu.memref_slice %arg3[%dma_start3A_16, %dma_start3A_17] : memref<100000x512xf32, #tpu.memory_space<hbm>> -> memref<100000x512xf32, #tpu.memory_space<hbm>>
    tpu.enqueue_indirect_dma source(%dma_start3A_18 : memref<100000x512xf32, #tpu.memory_space<hbm>>) target(%arg7 : memref<32x512xf32, #tpu.memory_space<vmem>>) offsets(%dma_start3A_15 : memref<32xi32, #tpu.memory_space<vmem>>) semaphore(%arg11 : memref<!tpu.dma_semaphore, #tpu.memory_space<semaphore_mem>>)
    %dma_start3A_19 = arith.constant 64 : i32
    %dma_start3A_20 = tpu.memref_slice %arg5[%dma_start3A_19] : memref<128xi32, #tpu.memory_space<vmem>> -> memref<32xi32, #tpu.memory_space<vmem>>
    %dma_start3A_21 = arith.constant 0 : i32
    %dma_start3A_22 = arith.constant 0 : i32
    %dma_start3A_23 = tpu.memref_slice %arg3[%dma_start3A_21, %dma_start3A_22] : memref<100000x512xf32, #tpu.memory_space<hbm>> -> memref<100000x512xf32, #tpu.memory_space<hbm>>
    tpu.enqueue_indirect_dma source(%dma_start3A_23 : memref<100000x512xf32, #tpu.memory_space<hbm>>) target(%arg8 : memref<32x512xf32, #tpu.memory_space<vmem>>) offsets(%dma_start3A_20 : memref<32xi32, #tpu.memory_space<vmem>>) semaphore(%arg12 : memref<!tpu.dma_semaphore, #tpu.memory_space<semaphore_mem>>)
    %dma_start3A_24 = arith.constant 96 : i32
    %dma_start3A_25 = tpu.memref_slice %arg5[%dma_start3A_24] : memref<128xi32, #tpu.memory_space<vmem>> -> memref<32xi32, #tpu.memory_space<vmem>>
    %dma_start3A_26 = arith.constant 0 : i32
    %dma_start3A_27 = arith.constant 0 : i32
    %dma_start3A_28 = tpu.memref_slice %arg3[%dma_start3A_26, %dma_start3A_27] : memref<100000x512xf32, #tpu.memory_space<hbm>> -> memref<100000x512xf32, #tpu.memory_space<hbm>>
    tpu.enqueue_indirect_dma source(%dma_start3A_28 : memref<100000x512xf32, #tpu.memory_space<hbm>>) target(%arg9 : memref<32x512xf32, #tpu.memory_space<vmem>>) offsets(%dma_start3A_25 : memref<32xi32, #tpu.memory_space<vmem>>) semaphore(%arg13 : memref<!tpu.dma_semaphore, #tpu.memory_space<semaphore_mem>>)
    %dma_wait3A = arith.constant 0 : i32
    %dma_wait3A_29 = tpu.memref_slice %arg5[%dma_wait3A] : memref<128xi32, #tpu.memory_space<vmem>> -> memref<32xi32, #tpu.memory_space<vmem>>
    %dma_wait3A_30 = arith.constant 0 : i32
    %dma_wait3A_31 = arith.constant 0 : i32
    %dma_wait3A_32 = tpu.memref_slice %arg3[%dma_wait3A_30, %dma_wait3A_31] : memref<100000x512xf32, #tpu.memory_space<hbm>> -> memref<100000x512xf32, #tpu.memory_space<hbm>>
    tpu.wait_indirect_dma semaphore(%arg10 : memref<!tpu.dma_semaphore, #tpu.memory_space<semaphore_mem>>) src(%dma_wait3A_32 : memref<100000x512xf32, #tpu.memory_space<hbm>>) dst(%arg6 : memref<32x512xf32, #tpu.memory_space<vmem>>)
    %add3A_33 = arith.constant 0 : i32
    %add3A_34 = arith.addi %add3A_9, %add3A_33 : i32
    %dma_start3A_35 = arith.constant 0 : i32
    %dma_start3A_36 = tpu.memref_slice %arg4[%add3A_34, %dma_start3A_35] : memref<4096x512xf32, #tpu.memory_space<hbm>> -> memref<32x512xf32, #tpu.memory_space<hbm>>
    %dma_start3A_37 = arith.constant 0 : i32
    %dma_start3A_38 = tpu.memref_slice %arg4[%add3A_34, %dma_start3A_37] : memref<4096x512xf32, #tpu.memory_space<hbm>> -> memref<32x512xf32, #tpu.memory_space<hbm>>
    tpu.enqueue_dma source(%arg6 : memref<32x512xf32, #tpu.memory_space<vmem>>) target(%dma_start3A_38 : memref<32x512xf32, #tpu.memory_space<hbm>>) target_semaphore(%arg14 : memref<!tpu.dma_semaphore, #tpu.memory_space<semaphore_mem>>)
    %dma_wait3A_39 = arith.constant 32 : i32
    %dma_wait3A_40 = tpu.memref_slice %arg5[%dma_wait3A_39] : memref<128xi32, #tpu.memory_space<vmem>> -> memref<32xi32, #tpu.memory_space<vmem>>
    %dma_wait3A_41 = arith.constant 0 : i32
    %dma_wait3A_42 = arith.constant 0 : i32
    %dma_wait3A_43 = tpu.memref_slice %arg3[%dma_wait3A_41, %dma_wait3A_42] : memref<100000x512xf32, #tpu.memory_space<hbm>> -> memref<100000x512xf32, #tpu.memory_space<hbm>>
    tpu.wait_indirect_dma semaphore(%arg11 : memref<!tpu.dma_semaphore, #tpu.memory_space<semaphore_mem>>) src(%dma_wait3A_43 : memref<100000x512xf32, #tpu.memory_space<hbm>>) dst(%arg7 : memref<32x512xf32, #tpu.memory_space<vmem>>)
    %add3A_44 = arith.constant 32 : i32
    %add3A_45 = arith.addi %add3A_9, %add3A_44 : i32
    %dma_start3A_46 = arith.constant 0 : i32
    %dma_start3A_47 = tpu.memref_slice %arg4[%add3A_45, %dma_start3A_46] : memref<4096x512xf32, #tpu.memory_space<hbm>> -> memref<32x512xf32, #tpu.memory_space<hbm>>
    %dma_start3A_48 = arith.constant 0 : i32
    %dma_start3A_49 = tpu.memref_slice %arg4[%add3A_45, %dma_start3A_48] : memref<4096x512xf32, #tpu.memory_space<hbm>> -> memref<32x512xf32, #tpu.memory_space<hbm>>
    tpu.enqueue_dma source(%arg7 : memref<32x512xf32, #tpu.memory_space<vmem>>) target(%dma_start3A_49 : memref<32x512xf32, #tpu.memory_space<hbm>>) target_semaphore(%arg15 : memref<!tpu.dma_semaphore, #tpu.memory_space<semaphore_mem>>)
    %dma_wait3A_50 = arith.constant 64 : i32
    %dma_wait3A_51 = tpu.memref_slice %arg5[%dma_wait3A_50] : memref<128xi32, #tpu.memory_space<vmem>> -> memref<32xi32, #tpu.memory_space<vmem>>
    %dma_wait3A_52 = arith.constant 0 : i32
    %dma_wait3A_53 = arith.constant 0 : i32
    %dma_wait3A_54 = tpu.memref_slice %arg3[%dma_wait3A_52, %dma_wait3A_53] : memref<100000x512xf32, #tpu.memory_space<hbm>> -> memref<100000x512xf32, #tpu.memory_space<hbm>>
    tpu.wait_indirect_dma semaphore(%arg12 : memref<!tpu.dma_semaphore, #tpu.memory_space<semaphore_mem>>) src(%dma_wait3A_54 : memref<100000x512xf32, #tpu.memory_space<hbm>>) dst(%arg8 : memref<32x512xf32, #tpu.memory_space<vmem>>)
    %add3A_55 = arith.constant 64 : i32
    %add3A_56 = arith.addi %add3A_9, %add3A_55 : i32
    %dma_start3A_57 = arith.constant 0 : i32
    %dma_start3A_58 = tpu.memref_slice %arg4[%add3A_56, %dma_start3A_57] : memref<4096x512xf32, #tpu.memory_space<hbm>> -> memref<32x512xf32, #tpu.memory_space<hbm>>
    %dma_start3A_59 = arith.constant 0 : i32
    %dma_start3A_60 = tpu.memref_slice %arg4[%add3A_56, %dma_start3A_59] : memref<4096x512xf32, #tpu.memory_space<hbm>> -> memref<32x512xf32, #tpu.memory_space<hbm>>
    tpu.enqueue_dma source(%arg8 : memref<32x512xf32, #tpu.memory_space<vmem>>) target(%dma_start3A_60 : memref<32x512xf32, #tpu.memory_space<hbm>>) target_semaphore(%arg16 : memref<!tpu.dma_semaphore, #tpu.memory_space<semaphore_mem>>)
    %dma_wait3A_61 = arith.constant 96 : i32
    %dma_wait3A_62 = tpu.memref_slice %arg5[%dma_wait3A_61] : memref<128xi32, #tpu.memory_space<vmem>> -> memref<32xi32, #tpu.memory_space<vmem>>
    %dma_wait3A_63 = arith.constant 0 : i32
    %dma_wait3A_64 = arith.constant 0 : i32
    %dma_wait3A_65 = tpu.memref_slice %arg3[%dma_wait3A_63, %dma_wait3A_64] : memref<100000x512xf32, #tpu.memory_space<hbm>> -> memref<100000x512xf32, #tpu.memory_space<hbm>>
    tpu.wait_indirect_dma semaphore(%arg13 : memref<!tpu.dma_semaphore, #tpu.memory_space<semaphore_mem>>) src(%dma_wait3A_65 : memref<100000x512xf32, #tpu.memory_space<hbm>>) dst(%arg9 : memref<32x512xf32, #tpu.memory_space<vmem>>)
    %add3A_66 = arith.constant 96 : i32
    %add3A_67 = arith.addi %add3A_9, %add3A_66 : i32
    %dma_start3A_68 = arith.constant 0 : i32
    %dma_start3A_69 = tpu.memref_slice %arg4[%add3A_67, %dma_start3A_68] : memref<4096x512xf32, #tpu.memory_space<hbm>> -> memref<32x512xf32, #tpu.memory_space<hbm>>
    %dma_start3A_70 = arith.constant 0 : i32
    %dma_start3A_71 = tpu.memref_slice %arg4[%add3A_67, %dma_start3A_70] : memref<4096x512xf32, #tpu.memory_space<hbm>> -> memref<32x512xf32, #tpu.memory_space<hbm>>
    tpu.enqueue_dma source(%arg9 : memref<32x512xf32, #tpu.memory_space<vmem>>) target(%dma_start3A_71 : memref<32x512xf32, #tpu.memory_space<hbm>>) target_semaphore(%arg17 : memref<!tpu.dma_semaphore, #tpu.memory_space<semaphore_mem>>)
    %dma_wait3A_72 = arith.constant 0 : i32
    %dma_wait3A_73 = tpu.memref_slice %arg4[%add3A_34, %dma_wait3A_72] : memref<4096x512xf32, #tpu.memory_space<hbm>> -> memref<32x512xf32, #tpu.memory_space<hbm>>
    %dma_wait3A_74 = arith.constant 0 : i32
    %dma_wait3A_75 = tpu.memref_slice %arg4[%add3A_34, %dma_wait3A_74] : memref<4096x512xf32, #tpu.memory_space<hbm>> -> memref<32x512xf32, #tpu.memory_space<hbm>>
    tpu.wait_dma2 semaphore(%arg14 : memref<!tpu.dma_semaphore, #tpu.memory_space<semaphore_mem>>) src(%arg6 : memref<32x512xf32, #tpu.memory_space<vmem>>) dst(%dma_wait3A_75 : memref<32x512xf32, #tpu.memory_space<hbm>>)
    %dma_wait3A_76 = arith.constant 0 : i32
    %dma_wait3A_77 = tpu.memref_slice %arg4[%add3A_45, %dma_wait3A_76] : memref<4096x512xf32, #tpu.memory_space<hbm>> -> memref<32x512xf32, #tpu.memory_space<hbm>>
    %dma_wait3A_78 = arith.constant 0 : i32
    %dma_wait3A_79 = tpu.memref_slice %arg4[%add3A_45, %dma_wait3A_78] : memref<4096x512xf32, #tpu.memory_space<hbm>> -> memref<32x512xf32, #tpu.memory_space<hbm>>
    tpu.wait_dma2 semaphore(%arg15 : memref<!tpu.dma_semaphore, #tpu.memory_space<semaphore_mem>>) src(%arg7 : memref<32x512xf32, #tpu.memory_space<vmem>>) dst(%dma_wait3A_79 : memref<32x512xf32, #tpu.memory_space<hbm>>)
    %dma_wait3A_80 = arith.constant 0 : i32
    %dma_wait3A_81 = tpu.memref_slice %arg4[%add3A_56, %dma_wait3A_80] : memref<4096x512xf32, #tpu.memory_space<hbm>> -> memref<32x512xf32, #tpu.memory_space<hbm>>
    %dma_wait3A_82 = arith.constant 0 : i32
    %dma_wait3A_83 = tpu.memref_slice %arg4[%add3A_56, %dma_wait3A_82] : memref<4096x512xf32, #tpu.memory_space<hbm>> -> memref<32x512xf32, #tpu.memory_space<hbm>>
    tpu.wait_dma2 semaphore(%arg16 : memref<!tpu.dma_semaphore, #tpu.memory_space<semaphore_mem>>) src(%arg8 : memref<32x512xf32, #tpu.memory_space<vmem>>) dst(%dma_wait3A_83 : memref<32x512xf32, #tpu.memory_space<hbm>>)
    %dma_wait3A_84 = arith.constant 0 : i32
    %dma_wait3A_85 = tpu.memref_slice %arg4[%add3A_67, %dma_wait3A_84] : memref<4096x512xf32, #tpu.memory_space<hbm>> -> memref<32x512xf32, #tpu.memory_space<hbm>>
    %dma_wait3A_86 = arith.constant 0 : i32
    %dma_wait3A_87 = tpu.memref_slice %arg4[%add3A_67, %dma_wait3A_86] : memref<4096x512xf32, #tpu.memory_space<hbm>> -> memref<32x512xf32, #tpu.memory_space<hbm>>
    tpu.wait_dma2 semaphore(%arg17 : memref<!tpu.dma_semaphore, #tpu.memory_space<semaphore_mem>>) src(%arg9 : memref<32x512xf32, #tpu.memory_space<vmem>>) dst(%dma_wait3A_87 : memref<32x512xf32, #tpu.memory_space<hbm>>)
    return
  }
}

module attributes {stable_mosaic.version = 14 : i64} {
  func.func @_tc_partial_body(%arg0: i32, %arg1: memref<1024x512xf32, #tpu.memory_space<vmem>>, %arg2: memref<1024x512xf32, #tpu.memory_space<vmem>>, %arg3: memref<1x1xf32, #tpu.memory_space<smem>>) attributes {dimension_semantics = [#tpu.dimension_semantics<arbitrary>], iteration_bounds = array<i64: 2>, scalar_prefetch = 0 : i64, scratch_operands = 0 : i64, tpu.core_type = #tpu.core_type<tc>, window_params = [{transform_indices = @transform_0, window_bounds = array<i64: 1024, 512>}, {transform_indices = @transform_1, window_bounds = array<i64: 1024, 512>}, {transform_indices = @transform_2, window_bounds = array<i64: 1, 1>}]} {
    %get3A = arith.constant 0 : index
    %get3A_0 = arith.constant 0 : index
    %get3A_1 = vector.load %arg1[%get3A, %get3A_0] : memref<1024x512xf32, #tpu.memory_space<vmem>>, vector<1024x512xf32>
    %transpose3A = tpu.transpose %get3A_1, [1, 0] : vector<1024x512xf32> -> vector<512x1024xf32>
    %reshape3A = vector.shape_cast %transpose3A : vector<512x1024xf32> to vector<8x64x1024xf32>
    %get3A_2 = arith.constant 0 : index
    %get3A_3 = arith.constant 0 : index
    %get3A_4 = vector.load %arg2[%get3A_2, %get3A_3] : memref<1024x512xf32, #tpu.memory_space<vmem>>, vector<1024x512xf32>
    %transpose3A_5 = tpu.transpose %get3A_4, [1, 0] : vector<1024x512xf32> -> vector<512x1024xf32>
    %reshape3A_6 = vector.shape_cast %transpose3A_5 : vector<512x1024xf32> to vector<8x64x1024xf32>
    %slice3A = vector.extract_strided_slice %reshape3A {offsets = [0, 0, 0], sizes = [8, 32, 1024], strides = [1, 1, 1]} : vector<8x64x1024xf32> to vector<8x32x1024xf32>
    %slice3A_7 = vector.extract_strided_slice %reshape3A {offsets = [0, 32, 0], sizes = [8, 32, 1024], strides = [1, 1, 1]} : vector<8x64x1024xf32> to vector<8x32x1024xf32>
    %abs3A = math.absf %slice3A_7 : vector<8x32x1024xf32>
    %slice3A_8 = vector.extract_strided_slice %reshape3A_6 {offsets = [0, 0, 0], sizes = [8, 32, 1024], strides = [1, 1, 1]} : vector<8x64x1024xf32> to vector<8x32x1024xf32>
    %slice3A_9 = vector.extract_strided_slice %reshape3A_6 {offsets = [0, 32, 0], sizes = [8, 32, 1024], strides = [1, 1, 1]} : vector<8x64x1024xf32> to vector<8x32x1024xf32>
    %abs3A_10 = math.absf %slice3A_9 : vector<8x32x1024xf32>
    %sub3A = arith.subf %slice3A, %abs3A : vector<8x32x1024xf32>
    %add3A = arith.addf %slice3A, %abs3A : vector<8x32x1024xf32>
    %sub3A_11 = arith.subf %slice3A_8, %abs3A_10 : vector<8x32x1024xf32>
    %add3A_12 = arith.addf %slice3A_8, %abs3A_10 : vector<8x32x1024xf32>
    %broadcast_in_dim3A = arith.constant 0.000000e+00 : f32
    %broadcast_in_dim3A_13 = vector.broadcast %broadcast_in_dim3A : f32 to vector<8x1024xf32>
    %slice3A_14 = vector.extract_strided_slice %sub3A {offsets = [0, 0, 0], sizes = [1, 32, 1024], strides = [1, 1, 1]} : vector<8x32x1024xf32> to vector<1x32x1024xf32>
    %squeeze3A = vector.shape_cast %slice3A_14 : vector<1x32x1024xf32> to vector<32x1024xf32>
    %broadcast_in_dim3A_15 = vector.shape_cast %squeeze3A : vector<32x1024xf32> to vector<1x32x1024xf32>
    %max3A = vector.broadcast %broadcast_in_dim3A_15 : vector<1x32x1024xf32> to vector<8x32x1024xf32>
    %max3A_16 = arith.maximumf %max3A, %sub3A_11 : vector<8x32x1024xf32>
    %slice3A_17 = vector.extract_strided_slice %add3A {offsets = [0, 0, 0], sizes = [1, 32, 1024], strides = [1, 1, 1]} : vector<8x32x1024xf32> to vector<1x32x1024xf32>
    %squeeze3A_18 = vector.shape_cast %slice3A_17 : vector<1x32x1024xf32> to vector<32x1024xf32>
    %broadcast_in_dim3A_19 = vector.shape_cast %squeeze3A_18 : vector<32x1024xf32> to vector<1x32x1024xf32>
    %min3A = vector.broadcast %broadcast_in_dim3A_19 : vector<1x32x1024xf32> to vector<8x32x1024xf32>
    %min3A_20 = arith.minimumf %min3A, %add3A_12 : vector<8x32x1024xf32>
    %sub3A_21 = arith.subf %min3A_20, %max3A_16 : vector<8x32x1024xf32>
    %max3A_22 = arith.constant 0.000000e+00 : f32
    %max3A_23 = vector.broadcast %max3A_22 : f32 to vector<8x32x1024xf32>
    %max3A_24 = arith.maximumf %sub3A_21, %max3A_23 : vector<8x32x1024xf32>
    %slice3A_25 = vector.extract_strided_slice %max3A_24 {offsets = [0, 0, 0], sizes = [8, 16, 1024], strides = [1, 1, 1]} : vector<8x32x1024xf32> to vector<8x16x1024xf32>
    %slice3A_26 = vector.extract_strided_slice %max3A_24 {offsets = [0, 16, 0], sizes = [8, 16, 1024], strides = [1, 1, 1]} : vector<8x32x1024xf32> to vector<8x16x1024xf32>
    %mul3A = arith.mulf %slice3A_25, %slice3A_26 : vector<8x16x1024xf32>
    %slice3A_27 = vector.extract_strided_slice %mul3A {offsets = [0, 0, 0], sizes = [8, 8, 1024], strides = [1, 1, 1]} : vector<8x16x1024xf32> to vector<8x8x1024xf32>
    %slice3A_28 = vector.extract_strided_slice %mul3A {offsets = [0, 8, 0], sizes = [8, 8, 1024], strides = [1, 1, 1]} : vector<8x16x1024xf32> to vector<8x8x1024xf32>
    %mul3A_29 = arith.mulf %slice3A_27, %slice3A_28 : vector<8x8x1024xf32>
    %roll3A = arith.constant 4 : i32
    %roll3A_30 = tpu.dynamic_rotate %mul3A_29 by %roll3A dim 1 : vector<8x8x1024xf32>, i32 -> vector<8x8x1024xf32>
    %mul3A_31 = arith.mulf %mul3A_29, %roll3A_30 : vector<8x8x1024xf32>
    %roll3A_32 = arith.constant 2 : i32
    %roll3A_33 = tpu.dynamic_rotate %mul3A_31 by %roll3A_32 dim 1 : vector<8x8x1024xf32>, i32 -> vector<8x8x1024xf32>
    %mul3A_34 = arith.mulf %mul3A_31, %roll3A_33 : vector<8x8x1024xf32>
    %roll3A_35 = arith.constant 1 : i32
    %roll3A_36 = tpu.dynamic_rotate %mul3A_34 by %roll3A_35 dim 1 : vector<8x8x1024xf32>, i32 -> vector<8x8x1024xf32>
    %mul3A_37 = arith.mulf %mul3A_34, %roll3A_36 : vector<8x8x1024xf32>
    %reduce_sum3A = arith.constant dense<0.000000e+00> : vector<8x1024xf32>
    %reduce_sum3A_38 = vector.multi_reduction <add>, %mul3A_37, %reduce_sum3A [0] : vector<8x8x1024xf32> to vector<8x1024xf32>
    %add3A_39 = arith.addf %broadcast_in_dim3A_13, %reduce_sum3A_38 : vector<8x1024xf32>
    %slice3A_40 = vector.extract_strided_slice %sub3A {offsets = [1, 0, 0], sizes = [1, 32, 1024], strides = [1, 1, 1]} : vector<8x32x1024xf32> to vector<1x32x1024xf32>
    %squeeze3A_41 = vector.shape_cast %slice3A_40 : vector<1x32x1024xf32> to vector<32x1024xf32>
    %broadcast_in_dim3A_42 = vector.shape_cast %squeeze3A_41 : vector<32x1024xf32> to vector<1x32x1024xf32>
    %max3A_43 = vector.broadcast %broadcast_in_dim3A_42 : vector<1x32x1024xf32> to vector<8x32x1024xf32>
    %max3A_44 = arith.maximumf %max3A_43, %sub3A_11 : vector<8x32x1024xf32>
    %slice3A_45 = vector.extract_strided_slice %add3A {offsets = [1, 0, 0], sizes = [1, 32, 1024], strides = [1, 1, 1]} : vector<8x32x1024xf32> to vector<1x32x1024xf32>
    %squeeze3A_46 = vector.shape_cast %slice3A_45 : vector<1x32x1024xf32> to vector<32x1024xf32>
    %broadcast_in_dim3A_47 = vector.shape_cast %squeeze3A_46 : vector<32x1024xf32> to vector<1x32x1024xf32>
    %min3A_48 = vector.broadcast %broadcast_in_dim3A_47 : vector<1x32x1024xf32> to vector<8x32x1024xf32>
    %min3A_49 = arith.minimumf %min3A_48, %add3A_12 : vector<8x32x1024xf32>
    %sub3A_50 = arith.subf %min3A_49, %max3A_44 : vector<8x32x1024xf32>
    %max3A_51 = arith.constant 0.000000e+00 : f32
    %max3A_52 = vector.broadcast %max3A_51 : f32 to vector<8x32x1024xf32>
    %max3A_53 = arith.maximumf %sub3A_50, %max3A_52 : vector<8x32x1024xf32>
    %slice3A_54 = vector.extract_strided_slice %max3A_53 {offsets = [0, 0, 0], sizes = [8, 16, 1024], strides = [1, 1, 1]} : vector<8x32x1024xf32> to vector<8x16x1024xf32>
    %slice3A_55 = vector.extract_strided_slice %max3A_53 {offsets = [0, 16, 0], sizes = [8, 16, 1024], strides = [1, 1, 1]} : vector<8x32x1024xf32> to vector<8x16x1024xf32>
    %mul3A_56 = arith.mulf %slice3A_54, %slice3A_55 : vector<8x16x1024xf32>
    %slice3A_57 = vector.extract_strided_slice %mul3A_56 {offsets = [0, 0, 0], sizes = [8, 8, 1024], strides = [1, 1, 1]} : vector<8x16x1024xf32> to vector<8x8x1024xf32>
    %slice3A_58 = vector.extract_strided_slice %mul3A_56 {offsets = [0, 8, 0], sizes = [8, 8, 1024], strides = [1, 1, 1]} : vector<8x16x1024xf32> to vector<8x8x1024xf32>
    %mul3A_59 = arith.mulf %slice3A_57, %slice3A_58 : vector<8x8x1024xf32>
    %roll3A_60 = arith.constant 4 : i32
    %roll3A_61 = tpu.dynamic_rotate %mul3A_59 by %roll3A_60 dim 1 : vector<8x8x1024xf32>, i32 -> vector<8x8x1024xf32>
    %mul3A_62 = arith.mulf %mul3A_59, %roll3A_61 : vector<8x8x1024xf32>
    %roll3A_63 = arith.constant 2 : i32
    %roll3A_64 = tpu.dynamic_rotate %mul3A_62 by %roll3A_63 dim 1 : vector<8x8x1024xf32>, i32 -> vector<8x8x1024xf32>
    %mul3A_65 = arith.mulf %mul3A_62, %roll3A_64 : vector<8x8x1024xf32>
    %roll3A_66 = arith.constant 1 : i32
    %roll3A_67 = tpu.dynamic_rotate %mul3A_65 by %roll3A_66 dim 1 : vector<8x8x1024xf32>, i32 -> vector<8x8x1024xf32>
    %mul3A_68 = arith.mulf %mul3A_65, %roll3A_67 : vector<8x8x1024xf32>
    %reduce_sum3A_69 = arith.constant dense<0.000000e+00> : vector<8x1024xf32>
    %reduce_sum3A_70 = vector.multi_reduction <add>, %mul3A_68, %reduce_sum3A_69 [0] : vector<8x8x1024xf32> to vector<8x1024xf32>
    %add3A_71 = arith.addf %add3A_39, %reduce_sum3A_70 : vector<8x1024xf32>
    %slice3A_72 = vector.extract_strided_slice %sub3A {offsets = [2, 0, 0], sizes = [1, 32, 1024], strides = [1, 1, 1]} : vector<8x32x1024xf32> to vector<1x32x1024xf32>
    %squeeze3A_73 = vector.shape_cast %slice3A_72 : vector<1x32x1024xf32> to vector<32x1024xf32>
    %broadcast_in_dim3A_74 = vector.shape_cast %squeeze3A_73 : vector<32x1024xf32> to vector<1x32x1024xf32>
    %max3A_75 = vector.broadcast %broadcast_in_dim3A_74 : vector<1x32x1024xf32> to vector<8x32x1024xf32>
    %max3A_76 = arith.maximumf %max3A_75, %sub3A_11 : vector<8x32x1024xf32>
    %slice3A_77 = vector.extract_strided_slice %add3A {offsets = [2, 0, 0], sizes = [1, 32, 1024], strides = [1, 1, 1]} : vector<8x32x1024xf32> to vector<1x32x1024xf32>
    %squeeze3A_78 = vector.shape_cast %slice3A_77 : vector<1x32x1024xf32> to vector<32x1024xf32>
    %broadcast_in_dim3A_79 = vector.shape_cast %squeeze3A_78 : vector<32x1024xf32> to vector<1x32x1024xf32>
    %min3A_80 = vector.broadcast %broadcast_in_dim3A_79 : vector<1x32x1024xf32> to vector<8x32x1024xf32>
    %min3A_81 = arith.minimumf %min3A_80, %add3A_12 : vector<8x32x1024xf32>
    %sub3A_82 = arith.subf %min3A_81, %max3A_76 : vector<8x32x1024xf32>
    %max3A_83 = arith.constant 0.000000e+00 : f32
    %max3A_84 = vector.broadcast %max3A_83 : f32 to vector<8x32x1024xf32>
    %max3A_85 = arith.maximumf %sub3A_82, %max3A_84 : vector<8x32x1024xf32>
    %slice3A_86 = vector.extract_strided_slice %max3A_85 {offsets = [0, 0, 0], sizes = [8, 16, 1024], strides = [1, 1, 1]} : vector<8x32x1024xf32> to vector<8x16x1024xf32>
    %slice3A_87 = vector.extract_strided_slice %max3A_85 {offsets = [0, 16, 0], sizes = [8, 16, 1024], strides = [1, 1, 1]} : vector<8x32x1024xf32> to vector<8x16x1024xf32>
    %mul3A_88 = arith.mulf %slice3A_86, %slice3A_87 : vector<8x16x1024xf32>
    %slice3A_89 = vector.extract_strided_slice %mul3A_88 {offsets = [0, 0, 0], sizes = [8, 8, 1024], strides = [1, 1, 1]} : vector<8x16x1024xf32> to vector<8x8x1024xf32>
    %slice3A_90 = vector.extract_strided_slice %mul3A_88 {offsets = [0, 8, 0], sizes = [8, 8, 1024], strides = [1, 1, 1]} : vector<8x16x1024xf32> to vector<8x8x1024xf32>
    %mul3A_91 = arith.mulf %slice3A_89, %slice3A_90 : vector<8x8x1024xf32>
    %roll3A_92 = arith.constant 4 : i32
    %roll3A_93 = tpu.dynamic_rotate %mul3A_91 by %roll3A_92 dim 1 : vector<8x8x1024xf32>, i32 -> vector<8x8x1024xf32>
    %mul3A_94 = arith.mulf %mul3A_91, %roll3A_93 : vector<8x8x1024xf32>
    %roll3A_95 = arith.constant 2 : i32
    %roll3A_96 = tpu.dynamic_rotate %mul3A_94 by %roll3A_95 dim 1 : vector<8x8x1024xf32>, i32 -> vector<8x8x1024xf32>
    %mul3A_97 = arith.mulf %mul3A_94, %roll3A_96 : vector<8x8x1024xf32>
    %roll3A_98 = arith.constant 1 : i32
    %roll3A_99 = tpu.dynamic_rotate %mul3A_97 by %roll3A_98 dim 1 : vector<8x8x1024xf32>, i32 -> vector<8x8x1024xf32>
    %mul3A_100 = arith.mulf %mul3A_97, %roll3A_99 : vector<8x8x1024xf32>
    %reduce_sum3A_101 = arith.constant dense<0.000000e+00> : vector<8x1024xf32>
    %reduce_sum3A_102 = vector.multi_reduction <add>, %mul3A_100, %reduce_sum3A_101 [0] : vector<8x8x1024xf32> to vector<8x1024xf32>
    %add3A_103 = arith.addf %add3A_71, %reduce_sum3A_102 : vector<8x1024xf32>
    %slice3A_104 = vector.extract_strided_slice %sub3A {offsets = [3, 0, 0], sizes = [1, 32, 1024], strides = [1, 1, 1]} : vector<8x32x1024xf32> to vector<1x32x1024xf32>
    %squeeze3A_105 = vector.shape_cast %slice3A_104 : vector<1x32x1024xf32> to vector<32x1024xf32>
    %broadcast_in_dim3A_106 = vector.shape_cast %squeeze3A_105 : vector<32x1024xf32> to vector<1x32x1024xf32>
    %max3A_107 = vector.broadcast %broadcast_in_dim3A_106 : vector<1x32x1024xf32> to vector<8x32x1024xf32>
    %max3A_108 = arith.maximumf %max3A_107, %sub3A_11 : vector<8x32x1024xf32>
    %slice3A_109 = vector.extract_strided_slice %add3A {offsets = [3, 0, 0], sizes = [1, 32, 1024], strides = [1, 1, 1]} : vector<8x32x1024xf32> to vector<1x32x1024xf32>
    %squeeze3A_110 = vector.shape_cast %slice3A_109 : vector<1x32x1024xf32> to vector<32x1024xf32>
    %broadcast_in_dim3A_111 = vector.shape_cast %squeeze3A_110 : vector<32x1024xf32> to vector<1x32x1024xf32>
    %min3A_112 = vector.broadcast %broadcast_in_dim3A_111 : vector<1x32x1024xf32> to vector<8x32x1024xf32>
    %min3A_113 = arith.minimumf %min3A_112, %add3A_12 : vector<8x32x1024xf32>
    %sub3A_114 = arith.subf %min3A_113, %max3A_108 : vector<8x32x1024xf32>
    %max3A_115 = arith.constant 0.000000e+00 : f32
    %max3A_116 = vector.broadcast %max3A_115 : f32 to vector<8x32x1024xf32>
    %max3A_117 = arith.maximumf %sub3A_114, %max3A_116 : vector<8x32x1024xf32>
    %slice3A_118 = vector.extract_strided_slice %max3A_117 {offsets = [0, 0, 0], sizes = [8, 16, 1024], strides = [1, 1, 1]} : vector<8x32x1024xf32> to vector<8x16x1024xf32>
    %slice3A_119 = vector.extract_strided_slice %max3A_117 {offsets = [0, 16, 0], sizes = [8, 16, 1024], strides = [1, 1, 1]} : vector<8x32x1024xf32> to vector<8x16x1024xf32>
    %mul3A_120 = arith.mulf %slice3A_118, %slice3A_119 : vector<8x16x1024xf32>
    %slice3A_121 = vector.extract_strided_slice %mul3A_120 {offsets = [0, 0, 0], sizes = [8, 8, 1024], strides = [1, 1, 1]} : vector<8x16x1024xf32> to vector<8x8x1024xf32>
    %slice3A_122 = vector.extract_strided_slice %mul3A_120 {offsets = [0, 8, 0], sizes = [8, 8, 1024], strides = [1, 1, 1]} : vector<8x16x1024xf32> to vector<8x8x1024xf32>
    %mul3A_123 = arith.mulf %slice3A_121, %slice3A_122 : vector<8x8x1024xf32>
    %roll3A_124 = arith.constant 4 : i32
    %roll3A_125 = tpu.dynamic_rotate %mul3A_123 by %roll3A_124 dim 1 : vector<8x8x1024xf32>, i32 -> vector<8x8x1024xf32>
    %mul3A_126 = arith.mulf %mul3A_123, %roll3A_125 : vector<8x8x1024xf32>
    %roll3A_127 = arith.constant 2 : i32
    %roll3A_128 = tpu.dynamic_rotate %mul3A_126 by %roll3A_127 dim 1 : vector<8x8x1024xf32>, i32 -> vector<8x8x1024xf32>
    %mul3A_129 = arith.mulf %mul3A_126, %roll3A_128 : vector<8x8x1024xf32>
    %roll3A_130 = arith.constant 1 : i32
    %roll3A_131 = tpu.dynamic_rotate %mul3A_129 by %roll3A_130 dim 1 : vector<8x8x1024xf32>, i32 -> vector<8x8x1024xf32>
    %mul3A_132 = arith.mulf %mul3A_129, %roll3A_131 : vector<8x8x1024xf32>
    %reduce_sum3A_133 = arith.constant dense<0.000000e+00> : vector<8x1024xf32>
    %reduce_sum3A_134 = vector.multi_reduction <add>, %mul3A_132, %reduce_sum3A_133 [0] : vector<8x8x1024xf32> to vector<8x1024xf32>
    %add3A_135 = arith.addf %add3A_103, %reduce_sum3A_134 : vector<8x1024xf32>
    %slice3A_136 = vector.extract_strided_slice %sub3A {offsets = [4, 0, 0], sizes = [1, 32, 1024], strides = [1, 1, 1]} : vector<8x32x1024xf32> to vector<1x32x1024xf32>
    %squeeze3A_137 = vector.shape_cast %slice3A_136 : vector<1x32x1024xf32> to vector<32x1024xf32>
    %broadcast_in_dim3A_138 = vector.shape_cast %squeeze3A_137 : vector<32x1024xf32> to vector<1x32x1024xf32>
    %max3A_139 = vector.broadcast %broadcast_in_dim3A_138 : vector<1x32x1024xf32> to vector<8x32x1024xf32>
    %max3A_140 = arith.maximumf %max3A_139, %sub3A_11 : vector<8x32x1024xf32>
    %slice3A_141 = vector.extract_strided_slice %add3A {offsets = [4, 0, 0], sizes = [1, 32, 1024], strides = [1, 1, 1]} : vector<8x32x1024xf32> to vector<1x32x1024xf32>
    %squeeze3A_142 = vector.shape_cast %slice3A_141 : vector<1x32x1024xf32> to vector<32x1024xf32>
    %broadcast_in_dim3A_143 = vector.shape_cast %squeeze3A_142 : vector<32x1024xf32> to vector<1x32x1024xf32>
    %min3A_144 = vector.broadcast %broadcast_in_dim3A_143 : vector<1x32x1024xf32> to vector<8x32x1024xf32>
    %min3A_145 = arith.minimumf %min3A_144, %add3A_12 : vector<8x32x1024xf32>
    %sub3A_146 = arith.subf %min3A_145, %max3A_140 : vector<8x32x1024xf32>
    %max3A_147 = arith.constant 0.000000e+00 : f32
    %max3A_148 = vector.broadcast %max3A_147 : f32 to vector<8x32x1024xf32>
    %max3A_149 = arith.maximumf %sub3A_146, %max3A_148 : vector<8x32x1024xf32>
    %slice3A_150 = vector.extract_strided_slice %max3A_149 {offsets = [0, 0, 0], sizes = [8, 16, 1024], strides = [1, 1, 1]} : vector<8x32x1024xf32> to vector<8x16x1024xf32>
    %slice3A_151 = vector.extract_strided_slice %max3A_149 {offsets = [0, 16, 0], sizes = [8, 16, 1024], strides = [1, 1, 1]} : vector<8x32x1024xf32> to vector<8x16x1024xf32>
    %mul3A_152 = arith.mulf %slice3A_150, %slice3A_151 : vector<8x16x1024xf32>
    %slice3A_153 = vector.extract_strided_slice %mul3A_152 {offsets = [0, 0, 0], sizes = [8, 8, 1024], strides = [1, 1, 1]} : vector<8x16x1024xf32> to vector<8x8x1024xf32>
    %slice3A_154 = vector.extract_strided_slice %mul3A_152 {offsets = [0, 8, 0], sizes = [8, 8, 1024], strides = [1, 1, 1]} : vector<8x16x1024xf32> to vector<8x8x1024xf32>
    %mul3A_155 = arith.mulf %slice3A_153, %slice3A_154 : vector<8x8x1024xf32>
    %roll3A_156 = arith.constant 4 : i32
    %roll3A_157 = tpu.dynamic_rotate %mul3A_155 by %roll3A_156 dim 1 : vector<8x8x1024xf32>, i32 -> vector<8x8x1024xf32>
    %mul3A_158 = arith.mulf %mul3A_155, %roll3A_157 : vector<8x8x1024xf32>
    %roll3A_159 = arith.constant 2 : i32
    %roll3A_160 = tpu.dynamic_rotate %mul3A_158 by %roll3A_159 dim 1 : vector<8x8x1024xf32>, i32 -> vector<8x8x1024xf32>
    %mul3A_161 = arith.mulf %mul3A_158, %roll3A_160 : vector<8x8x1024xf32>
    %roll3A_162 = arith.constant 1 : i32
    %roll3A_163 = tpu.dynamic_rotate %mul3A_161 by %roll3A_162 dim 1 : vector<8x8x1024xf32>, i32 -> vector<8x8x1024xf32>
    %mul3A_164 = arith.mulf %mul3A_161, %roll3A_163 : vector<8x8x1024xf32>
    %reduce_sum3A_165 = arith.constant dense<0.000000e+00> : vector<8x1024xf32>
    %reduce_sum3A_166 = vector.multi_reduction <add>, %mul3A_164, %reduce_sum3A_165 [0] : vector<8x8x1024xf32> to vector<8x1024xf32>
    %add3A_167 = arith.addf %add3A_135, %reduce_sum3A_166 : vector<8x1024xf32>
    %slice3A_168 = vector.extract_strided_slice %sub3A {offsets = [5, 0, 0], sizes = [1, 32, 1024], strides = [1, 1, 1]} : vector<8x32x1024xf32> to vector<1x32x1024xf32>
    %squeeze3A_169 = vector.shape_cast %slice3A_168 : vector<1x32x1024xf32> to vector<32x1024xf32>
    %broadcast_in_dim3A_170 = vector.shape_cast %squeeze3A_169 : vector<32x1024xf32> to vector<1x32x1024xf32>
    %max3A_171 = vector.broadcast %broadcast_in_dim3A_170 : vector<1x32x1024xf32> to vector<8x32x1024xf32>
    %max3A_172 = arith.maximumf %max3A_171, %sub3A_11 : vector<8x32x1024xf32>
    %slice3A_173 = vector.extract_strided_slice %add3A {offsets = [5, 0, 0], sizes = [1, 32, 1024], strides = [1, 1, 1]} : vector<8x32x1024xf32> to vector<1x32x1024xf32>
    %squeeze3A_174 = vector.shape_cast %slice3A_173 : vector<1x32x1024xf32> to vector<32x1024xf32>
    %broadcast_in_dim3A_175 = vector.shape_cast %squeeze3A_174 : vector<32x1024xf32> to vector<1x32x1024xf32>
    %min3A_176 = vector.broadcast %broadcast_in_dim3A_175 : vector<1x32x1024xf32> to vector<8x32x1024xf32>
    %min3A_177 = arith.minimumf %min3A_176, %add3A_12 : vector<8x32x1024xf32>
    %sub3A_178 = arith.subf %min3A_177, %max3A_172 : vector<8x32x1024xf32>
    %max3A_179 = arith.constant 0.000000e+00 : f32
    %max3A_180 = vector.broadcast %max3A_179 : f32 to vector<8x32x1024xf32>
    %max3A_181 = arith.maximumf %sub3A_178, %max3A_180 : vector<8x32x1024xf32>
    %slice3A_182 = vector.extract_strided_slice %max3A_181 {offsets = [0, 0, 0], sizes = [8, 16, 1024], strides = [1, 1, 1]} : vector<8x32x1024xf32> to vector<8x16x1024xf32>
    %slice3A_183 = vector.extract_strided_slice %max3A_181 {offsets = [0, 16, 0], sizes = [8, 16, 1024], strides = [1, 1, 1]} : vector<8x32x1024xf32> to vector<8x16x1024xf32>
    %mul3A_184 = arith.mulf %slice3A_182, %slice3A_183 : vector<8x16x1024xf32>
    %slice3A_185 = vector.extract_strided_slice %mul3A_184 {offsets = [0, 0, 0], sizes = [8, 8, 1024], strides = [1, 1, 1]} : vector<8x16x1024xf32> to vector<8x8x1024xf32>
    %slice3A_186 = vector.extract_strided_slice %mul3A_184 {offsets = [0, 8, 0], sizes = [8, 8, 1024], strides = [1, 1, 1]} : vector<8x16x1024xf32> to vector<8x8x1024xf32>
    %mul3A_187 = arith.mulf %slice3A_185, %slice3A_186 : vector<8x8x1024xf32>
    %roll3A_188 = arith.constant 4 : i32
    %roll3A_189 = tpu.dynamic_rotate %mul3A_187 by %roll3A_188 dim 1 : vector<8x8x1024xf32>, i32 -> vector<8x8x1024xf32>
    %mul3A_190 = arith.mulf %mul3A_187, %roll3A_189 : vector<8x8x1024xf32>
    %roll3A_191 = arith.constant 2 : i32
    %roll3A_192 = tpu.dynamic_rotate %mul3A_190 by %roll3A_191 dim 1 : vector<8x8x1024xf32>, i32 -> vector<8x8x1024xf32>
    %mul3A_193 = arith.mulf %mul3A_190, %roll3A_192 : vector<8x8x1024xf32>
    %roll3A_194 = arith.constant 1 : i32
    %roll3A_195 = tpu.dynamic_rotate %mul3A_193 by %roll3A_194 dim 1 : vector<8x8x1024xf32>, i32 -> vector<8x8x1024xf32>
    %mul3A_196 = arith.mulf %mul3A_193, %roll3A_195 : vector<8x8x1024xf32>
    %reduce_sum3A_197 = arith.constant dense<0.000000e+00> : vector<8x1024xf32>
    %reduce_sum3A_198 = vector.multi_reduction <add>, %mul3A_196, %reduce_sum3A_197 [0] : vector<8x8x1024xf32> to vector<8x1024xf32>
    %add3A_199 = arith.addf %add3A_167, %reduce_sum3A_198 : vector<8x1024xf32>
    %slice3A_200 = vector.extract_strided_slice %sub3A {offsets = [6, 0, 0], sizes = [1, 32, 1024], strides = [1, 1, 1]} : vector<8x32x1024xf32> to vector<1x32x1024xf32>
    %squeeze3A_201 = vector.shape_cast %slice3A_200 : vector<1x32x1024xf32> to vector<32x1024xf32>
    %broadcast_in_dim3A_202 = vector.shape_cast %squeeze3A_201 : vector<32x1024xf32> to vector<1x32x1024xf32>
    %max3A_203 = vector.broadcast %broadcast_in_dim3A_202 : vector<1x32x1024xf32> to vector<8x32x1024xf32>
    %max3A_204 = arith.maximumf %max3A_203, %sub3A_11 : vector<8x32x1024xf32>
    %slice3A_205 = vector.extract_strided_slice %add3A {offsets = [6, 0, 0], sizes = [1, 32, 1024], strides = [1, 1, 1]} : vector<8x32x1024xf32> to vector<1x32x1024xf32>
    %squeeze3A_206 = vector.shape_cast %slice3A_205 : vector<1x32x1024xf32> to vector<32x1024xf32>
    %broadcast_in_dim3A_207 = vector.shape_cast %squeeze3A_206 : vector<32x1024xf32> to vector<1x32x1024xf32>
    %min3A_208 = vector.broadcast %broadcast_in_dim3A_207 : vector<1x32x1024xf32> to vector<8x32x1024xf32>
    %min3A_209 = arith.minimumf %min3A_208, %add3A_12 : vector<8x32x1024xf32>
    %sub3A_210 = arith.subf %min3A_209, %max3A_204 : vector<8x32x1024xf32>
    %max3A_211 = arith.constant 0.000000e+00 : f32
    %max3A_212 = vector.broadcast %max3A_211 : f32 to vector<8x32x1024xf32>
    %max3A_213 = arith.maximumf %sub3A_210, %max3A_212 : vector<8x32x1024xf32>
    %slice3A_214 = vector.extract_strided_slice %max3A_213 {offsets = [0, 0, 0], sizes = [8, 16, 1024], strides = [1, 1, 1]} : vector<8x32x1024xf32> to vector<8x16x1024xf32>
    %slice3A_215 = vector.extract_strided_slice %max3A_213 {offsets = [0, 16, 0], sizes = [8, 16, 1024], strides = [1, 1, 1]} : vector<8x32x1024xf32> to vector<8x16x1024xf32>
    %mul3A_216 = arith.mulf %slice3A_214, %slice3A_215 : vector<8x16x1024xf32>
    %slice3A_217 = vector.extract_strided_slice %mul3A_216 {offsets = [0, 0, 0], sizes = [8, 8, 1024], strides = [1, 1, 1]} : vector<8x16x1024xf32> to vector<8x8x1024xf32>
    %slice3A_218 = vector.extract_strided_slice %mul3A_216 {offsets = [0, 8, 0], sizes = [8, 8, 1024], strides = [1, 1, 1]} : vector<8x16x1024xf32> to vector<8x8x1024xf32>
    %mul3A_219 = arith.mulf %slice3A_217, %slice3A_218 : vector<8x8x1024xf32>
    %roll3A_220 = arith.constant 4 : i32
    %roll3A_221 = tpu.dynamic_rotate %mul3A_219 by %roll3A_220 dim 1 : vector<8x8x1024xf32>, i32 -> vector<8x8x1024xf32>
    %mul3A_222 = arith.mulf %mul3A_219, %roll3A_221 : vector<8x8x1024xf32>
    %roll3A_223 = arith.constant 2 : i32
    %roll3A_224 = tpu.dynamic_rotate %mul3A_222 by %roll3A_223 dim 1 : vector<8x8x1024xf32>, i32 -> vector<8x8x1024xf32>
    %mul3A_225 = arith.mulf %mul3A_222, %roll3A_224 : vector<8x8x1024xf32>
    %roll3A_226 = arith.constant 1 : i32
    %roll3A_227 = tpu.dynamic_rotate %mul3A_225 by %roll3A_226 dim 1 : vector<8x8x1024xf32>, i32 -> vector<8x8x1024xf32>
    %mul3A_228 = arith.mulf %mul3A_225, %roll3A_227 : vector<8x8x1024xf32>
    %reduce_sum3A_229 = arith.constant dense<0.000000e+00> : vector<8x1024xf32>
    %reduce_sum3A_230 = vector.multi_reduction <add>, %mul3A_228, %reduce_sum3A_229 [0] : vector<8x8x1024xf32> to vector<8x1024xf32>
    %add3A_231 = arith.addf %add3A_199, %reduce_sum3A_230 : vector<8x1024xf32>
    %slice3A_232 = vector.extract_strided_slice %sub3A {offsets = [7, 0, 0], sizes = [1, 32, 1024], strides = [1, 1, 1]} : vector<8x32x1024xf32> to vector<1x32x1024xf32>
    %squeeze3A_233 = vector.shape_cast %slice3A_232 : vector<1x32x1024xf32> to vector<32x1024xf32>
    %broadcast_in_dim3A_234 = vector.shape_cast %squeeze3A_233 : vector<32x1024xf32> to vector<1x32x1024xf32>
    %max3A_235 = vector.broadcast %broadcast_in_dim3A_234 : vector<1x32x1024xf32> to vector<8x32x1024xf32>
    %max3A_236 = arith.maximumf %max3A_235, %sub3A_11 : vector<8x32x1024xf32>
    %slice3A_237 = vector.extract_strided_slice %add3A {offsets = [7, 0, 0], sizes = [1, 32, 1024], strides = [1, 1, 1]} : vector<8x32x1024xf32> to vector<1x32x1024xf32>
    %squeeze3A_238 = vector.shape_cast %slice3A_237 : vector<1x32x1024xf32> to vector<32x1024xf32>
    %broadcast_in_dim3A_239 = vector.shape_cast %squeeze3A_238 : vector<32x1024xf32> to vector<1x32x1024xf32>
    %min3A_240 = vector.broadcast %broadcast_in_dim3A_239 : vector<1x32x1024xf32> to vector<8x32x1024xf32>
    %min3A_241 = arith.minimumf %min3A_240, %add3A_12 : vector<8x32x1024xf32>
    %sub3A_242 = arith.subf %min3A_241, %max3A_236 : vector<8x32x1024xf32>
    %max3A_243 = arith.constant 0.000000e+00 : f32
    %max3A_244 = vector.broadcast %max3A_243 : f32 to vector<8x32x1024xf32>
    %max3A_245 = arith.maximumf %sub3A_242, %max3A_244 : vector<8x32x1024xf32>
    %slice3A_246 = vector.extract_strided_slice %max3A_245 {offsets = [0, 0, 0], sizes = [8, 16, 1024], strides = [1, 1, 1]} : vector<8x32x1024xf32> to vector<8x16x1024xf32>
    %slice3A_247 = vector.extract_strided_slice %max3A_245 {offsets = [0, 16, 0], sizes = [8, 16, 1024], strides = [1, 1, 1]} : vector<8x32x1024xf32> to vector<8x16x1024xf32>
    %mul3A_248 = arith.mulf %slice3A_246, %slice3A_247 : vector<8x16x1024xf32>
    %slice3A_249 = vector.extract_strided_slice %mul3A_248 {offsets = [0, 0, 0], sizes = [8, 8, 1024], strides = [1, 1, 1]} : vector<8x16x1024xf32> to vector<8x8x1024xf32>
    %slice3A_250 = vector.extract_strided_slice %mul3A_248 {offsets = [0, 8, 0], sizes = [8, 8, 1024], strides = [1, 1, 1]} : vector<8x16x1024xf32> to vector<8x8x1024xf32>
    %mul3A_251 = arith.mulf %slice3A_249, %slice3A_250 : vector<8x8x1024xf32>
    %roll3A_252 = arith.constant 4 : i32
    %roll3A_253 = tpu.dynamic_rotate %mul3A_251 by %roll3A_252 dim 1 : vector<8x8x1024xf32>, i32 -> vector<8x8x1024xf32>
    %mul3A_254 = arith.mulf %mul3A_251, %roll3A_253 : vector<8x8x1024xf32>
    %roll3A_255 = arith.constant 2 : i32
    %roll3A_256 = tpu.dynamic_rotate %mul3A_254 by %roll3A_255 dim 1 : vector<8x8x1024xf32>, i32 -> vector<8x8x1024xf32>
    %mul3A_257 = arith.mulf %mul3A_254, %roll3A_256 : vector<8x8x1024xf32>
    %roll3A_258 = arith.constant 1 : i32
    %roll3A_259 = tpu.dynamic_rotate %mul3A_257 by %roll3A_258 dim 1 : vector<8x8x1024xf32>, i32 -> vector<8x8x1024xf32>
    %mul3A_260 = arith.mulf %mul3A_257, %roll3A_259 : vector<8x8x1024xf32>
    %reduce_sum3A_261 = arith.constant dense<0.000000e+00> : vector<8x1024xf32>
    %reduce_sum3A_262 = vector.multi_reduction <add>, %mul3A_260, %reduce_sum3A_261 [0] : vector<8x8x1024xf32> to vector<8x1024xf32>
    %add3A_263 = arith.addf %add3A_231, %reduce_sum3A_262 : vector<8x1024xf32>
    %mul3A_264 = arith.constant 2.000000e+00 : f32
    %mul3A_265 = vector.broadcast %mul3A_264 : f32 to vector<8x32x1024xf32>
    %mul3A_266 = arith.mulf %mul3A_265, %abs3A : vector<8x32x1024xf32>
    %slice3A_267 = vector.extract_strided_slice %mul3A_266 {offsets = [0, 0, 0], sizes = [8, 16, 1024], strides = [1, 1, 1]} : vector<8x32x1024xf32> to vector<8x16x1024xf32>
    %slice3A_268 = vector.extract_strided_slice %mul3A_266 {offsets = [0, 16, 0], sizes = [8, 16, 1024], strides = [1, 1, 1]} : vector<8x32x1024xf32> to vector<8x16x1024xf32>
    %mul3A_269 = arith.mulf %slice3A_267, %slice3A_268 : vector<8x16x1024xf32>
    %slice3A_270 = vector.extract_strided_slice %mul3A_269 {offsets = [0, 0, 0], sizes = [8, 8, 1024], strides = [1, 1, 1]} : vector<8x16x1024xf32> to vector<8x8x1024xf32>
    %slice3A_271 = vector.extract_strided_slice %mul3A_269 {offsets = [0, 8, 0], sizes = [8, 8, 1024], strides = [1, 1, 1]} : vector<8x16x1024xf32> to vector<8x8x1024xf32>
    %mul3A_272 = arith.mulf %slice3A_270, %slice3A_271 : vector<8x8x1024xf32>
    %roll3A_273 = arith.constant 4 : i32
    %roll3A_274 = tpu.dynamic_rotate %mul3A_272 by %roll3A_273 dim 1 : vector<8x8x1024xf32>, i32 -> vector<8x8x1024xf32>
    %mul3A_275 = arith.mulf %mul3A_272, %roll3A_274 : vector<8x8x1024xf32>
    %roll3A_276 = arith.constant 2 : i32
    %roll3A_277 = tpu.dynamic_rotate %mul3A_275 by %roll3A_276 dim 1 : vector<8x8x1024xf32>, i32 -> vector<8x8x1024xf32>
    %mul3A_278 = arith.mulf %mul3A_275, %roll3A_277 : vector<8x8x1024xf32>
    %roll3A_279 = arith.constant 1 : i32
    %roll3A_280 = tpu.dynamic_rotate %mul3A_278 by %roll3A_279 dim 1 : vector<8x8x1024xf32>, i32 -> vector<8x8x1024xf32>
    %mul3A_281 = arith.mulf %mul3A_278, %roll3A_280 : vector<8x8x1024xf32>
    %reduce_sum3A_282 = arith.constant dense<0.000000e+00> : vector<8x1024xf32>
    %reduce_sum3A_283 = vector.multi_reduction <add>, %mul3A_281, %reduce_sum3A_282 [0] : vector<8x8x1024xf32> to vector<8x1024xf32>
    %eq3A = arith.constant 0.000000e+00 : f32
    %eq3A_284 = vector.broadcast %eq3A : f32 to vector<8x1024xf32>
    %eq3A_285 = arith.cmpf oeq, %reduce_sum3A_283, %eq3A_284 : vector<8x1024xf32>
    %abs3A_286 = math.absf %reduce_sum3A_283 : vector<8x1024xf32>
    %eq3A_287 = arith.constant 0x7F800000 : f32
    %eq3A_288 = vector.broadcast %eq3A_287 : f32 to vector<8x1024xf32>
    %eq3A_289 = arith.cmpf oeq, %abs3A_286, %eq3A_288 : vector<8x1024xf32>
    %mul3A_290 = arith.constant 5.000000e-01 : f32
    %mul3A_291 = vector.broadcast %mul3A_290 : f32 to vector<8x1024xf32>
    %mul3A_292 = arith.mulf %add3A_263, %mul3A_291 : vector<8x1024xf32>
    %sub3A_293 = arith.constant 1.000000e+00 : f32
    %sub3A_294 = vector.broadcast %sub3A_293 : f32 to vector<8x1024xf32>
    %sub3A_295 = arith.subf %sub3A_294, %mul3A_292 : vector<8x1024xf32>
    %div3A = arith.divf %add3A_263, %reduce_sum3A_283 : vector<8x1024xf32>
    %sub3A_296 = arith.constant 1.000000e+00 : f32
    %sub3A_297 = vector.broadcast %sub3A_296 : f32 to vector<8x1024xf32>
    %sub3A_298 = arith.subf %sub3A_297, %div3A : vector<8x1024xf32>
    %select_n3A = arith.select %eq3A_289, %sub3A_295, %sub3A_298 : vector<8x1024xi1>, vector<8x1024xf32>
    %jit3A = arith.constant 0.000000e+00 : f32
    %broadcast_in_dim3A_299 = vector.broadcast %jit3A : f32 to vector<8x1024xf32>
    %select_n3A_300 = arith.select %eq3A_285, %broadcast_in_dim3A_299, %select_n3A : vector<8x1024xi1>, vector<8x1024xf32>
    %max3A_301 = arith.constant 0.000000e+00 : f32
    %max3A_302 = vector.broadcast %max3A_301 : f32 to vector<8x1024xf32>
    %max3A_303 = arith.maximumf %select_n3A_300, %max3A_302 : vector<8x1024xf32>
    %mul3A_304 = arith.mulf %max3A_303, %max3A_303 : vector<8x1024xf32>
    %reduce_sum3A_305 = vector.shape_cast %mul3A_304 : vector<8x1024xf32> to vector<1x8x1024xf32>
    %reduce_sum3A_306 = arith.constant dense<0.000000e+00> : vector<1xf32>
    %reduce_sum3A_307 = vector.multi_reduction <add>, %reduce_sum3A_305, %reduce_sum3A_306 [1, 2] : vector<1x8x1024xf32> to vector<1xf32>
    %reduce_sum3A_308 = vector.shape_cast %reduce_sum3A_307 : vector<1xf32> to vector<1x1x1xf32>
    %reduce_sum3A_309 = vector.extract %reduce_sum3A_308[0, 0, 0] : f32 from vector<1x1x1xf32>
    %mul3A_310 = arith.constant 1.250000e-01 : f32
    %mul3A_311 = arith.mulf %reduce_sum3A_309, %mul3A_310 : f32
    %eq3A_312 = arith.constant 0 : i32
    %eq3A_313 = arith.cmpi eq, %arg0, %eq3A_312 : i32
    %convert_element_type3A = arith.extui %eq3A_313 : i1 to i32
    %cond3A = arith.constant 0 : i32
    %cond3A_314 = arith.cmpi ne, %convert_element_type3A, %cond3A : i32
    scf.if %cond3A_314 {
      %swap3A_321 = arith.constant 0.000000e+00 : f32
      %swap3A_322 = arith.constant 0 : index
      %swap3A_323 = arith.constant 0 : index
      %swap3A_324 = memref.load %arg3[%swap3A_322, %swap3A_323] : memref<1x1xf32, #tpu.memory_space<smem>>
      memref.store %swap3A_321, %arg3[%swap3A_322, %swap3A_323] : memref<1x1xf32, #tpu.memory_space<smem>>
    } else {
    }
    %get3A_315 = arith.constant 0 : index
    %get3A_316 = arith.constant 0 : index
    %get3A_317 = memref.load %arg3[%get3A_315, %get3A_316] : memref<1x1xf32, #tpu.memory_space<smem>>
    %add3A_318 = arith.addf %get3A_317, %mul3A_311 : f32
    %swap3A = arith.constant 0 : index
    %swap3A_319 = arith.constant 0 : index
    %swap3A_320 = memref.load %arg3[%swap3A, %swap3A_319] : memref<1x1xf32, #tpu.memory_space<smem>>
    memref.store %add3A_318, %arg3[%swap3A, %swap3A_319] : memref<1x1xf32, #tpu.memory_space<smem>>
    return
  }
  func.func @transform_0(%arg0: i32) -> (i32, i32) {
    %c0_i32 = arith.constant 0 : i32
    %c0_i32_0 = arith.constant 0 : i32
    return %arg0, %c0_i32 : i32, i32
  }
  func.func @transform_1(%arg0: i32) -> (i32, i32) {
    %add3A = arith.constant 2 : i32
    %add3A_0 = arith.addi %arg0, %add3A : i32
    %c0_i32 = arith.constant 0 : i32
    %c0_i32_1 = arith.constant 0 : i32
    return %add3A_0, %c0_i32 : i32, i32
  }
  func.func @transform_2(%arg0: i32) -> (i32, i32) {
    %c0_i32 = arith.constant 0 : i32
    %c0_i32_0 = arith.constant 0 : i32
    %c0_i32_1 = arith.constant 0 : i32
    return %c0_i32, %c0_i32_0 : i32, i32
  }
}

module attributes {stable_mosaic.version = 14 : i64} {
  func.func @_tc_final_body(%arg0: i32, %arg1: memref<1x1xf32, #tpu.memory_space<smem>>, %arg2: memref<1024x512xf32, #tpu.memory_space<vmem>>, %arg3: memref<1024x512xf32, #tpu.memory_space<vmem>>, %arg4: memref<1x1xf32, #tpu.memory_space<smem>>) attributes {dimension_semantics = [#tpu.dimension_semantics<arbitrary>], iteration_bounds = array<i64: 2>, scalar_prefetch = 0 : i64, scratch_operands = 0 : i64, tpu.core_type = #tpu.core_type<tc>, window_params = [{transform_indices = @transform_0, window_bounds = array<i64: 1, 1>}, {transform_indices = @transform_1, window_bounds = array<i64: 1024, 512>}, {transform_indices = @transform_2, window_bounds = array<i64: 1024, 512>}, {transform_indices = @transform_3, window_bounds = array<i64: 1, 1>}]} {
    %get3A = arith.constant 0 : index
    %get3A_0 = arith.constant 0 : index
    %get3A_1 = vector.load %arg2[%get3A, %get3A_0] : memref<1024x512xf32, #tpu.memory_space<vmem>>, vector<1024x512xf32>
    %transpose3A = tpu.transpose %get3A_1, [1, 0] : vector<1024x512xf32> -> vector<512x1024xf32>
    %reshape3A = vector.shape_cast %transpose3A : vector<512x1024xf32> to vector<8x64x1024xf32>
    %get3A_2 = arith.constant 0 : index
    %get3A_3 = arith.constant 0 : index
    %get3A_4 = vector.load %arg3[%get3A_2, %get3A_3] : memref<1024x512xf32, #tpu.memory_space<vmem>>, vector<1024x512xf32>
    %transpose3A_5 = tpu.transpose %get3A_4, [1, 0] : vector<1024x512xf32> -> vector<512x1024xf32>
    %reshape3A_6 = vector.shape_cast %transpose3A_5 : vector<512x1024xf32> to vector<8x64x1024xf32>
    %slice3A = vector.extract_strided_slice %reshape3A {offsets = [0, 0, 0], sizes = [8, 32, 1024], strides = [1, 1, 1]} : vector<8x64x1024xf32> to vector<8x32x1024xf32>
    %slice3A_7 = vector.extract_strided_slice %reshape3A {offsets = [0, 32, 0], sizes = [8, 32, 1024], strides = [1, 1, 1]} : vector<8x64x1024xf32> to vector<8x32x1024xf32>
    %abs3A = math.absf %slice3A_7 : vector<8x32x1024xf32>
    %slice3A_8 = vector.extract_strided_slice %reshape3A_6 {offsets = [0, 0, 0], sizes = [8, 32, 1024], strides = [1, 1, 1]} : vector<8x64x1024xf32> to vector<8x32x1024xf32>
    %slice3A_9 = vector.extract_strided_slice %reshape3A_6 {offsets = [0, 32, 0], sizes = [8, 32, 1024], strides = [1, 1, 1]} : vector<8x64x1024xf32> to vector<8x32x1024xf32>
    %abs3A_10 = math.absf %slice3A_9 : vector<8x32x1024xf32>
    %sub3A = arith.subf %slice3A, %abs3A : vector<8x32x1024xf32>
    %add3A = arith.addf %slice3A, %abs3A : vector<8x32x1024xf32>
    %sub3A_11 = arith.subf %slice3A_8, %abs3A_10 : vector<8x32x1024xf32>
    %add3A_12 = arith.addf %slice3A_8, %abs3A_10 : vector<8x32x1024xf32>
    %broadcast_in_dim3A = arith.constant 0.000000e+00 : f32
    %broadcast_in_dim3A_13 = vector.broadcast %broadcast_in_dim3A : f32 to vector<8x1024xf32>
    %slice3A_14 = vector.extract_strided_slice %sub3A {offsets = [0, 0, 0], sizes = [1, 32, 1024], strides = [1, 1, 1]} : vector<8x32x1024xf32> to vector<1x32x1024xf32>
    %squeeze3A = vector.shape_cast %slice3A_14 : vector<1x32x1024xf32> to vector<32x1024xf32>
    %broadcast_in_dim3A_15 = vector.shape_cast %squeeze3A : vector<32x1024xf32> to vector<1x32x1024xf32>
    %max3A = vector.broadcast %broadcast_in_dim3A_15 : vector<1x32x1024xf32> to vector<8x32x1024xf32>
    %max3A_16 = arith.maximumf %max3A, %sub3A_11 : vector<8x32x1024xf32>
    %slice3A_17 = vector.extract_strided_slice %add3A {offsets = [0, 0, 0], sizes = [1, 32, 1024], strides = [1, 1, 1]} : vector<8x32x1024xf32> to vector<1x32x1024xf32>
    %squeeze3A_18 = vector.shape_cast %slice3A_17 : vector<1x32x1024xf32> to vector<32x1024xf32>
    %broadcast_in_dim3A_19 = vector.shape_cast %squeeze3A_18 : vector<32x1024xf32> to vector<1x32x1024xf32>
    %min3A = vector.broadcast %broadcast_in_dim3A_19 : vector<1x32x1024xf32> to vector<8x32x1024xf32>
    %min3A_20 = arith.minimumf %min3A, %add3A_12 : vector<8x32x1024xf32>
    %sub3A_21 = arith.subf %min3A_20, %max3A_16 : vector<8x32x1024xf32>
    %max3A_22 = arith.constant 0.000000e+00 : f32
    %max3A_23 = vector.broadcast %max3A_22 : f32 to vector<8x32x1024xf32>
    %max3A_24 = arith.maximumf %sub3A_21, %max3A_23 : vector<8x32x1024xf32>
    %slice3A_25 = vector.extract_strided_slice %max3A_24 {offsets = [0, 0, 0], sizes = [8, 16, 1024], strides = [1, 1, 1]} : vector<8x32x1024xf32> to vector<8x16x1024xf32>
    %slice3A_26 = vector.extract_strided_slice %max3A_24 {offsets = [0, 16, 0], sizes = [8, 16, 1024], strides = [1, 1, 1]} : vector<8x32x1024xf32> to vector<8x16x1024xf32>
    %mul3A = arith.mulf %slice3A_25, %slice3A_26 : vector<8x16x1024xf32>
    %slice3A_27 = vector.extract_strided_slice %mul3A {offsets = [0, 0, 0], sizes = [8, 8, 1024], strides = [1, 1, 1]} : vector<8x16x1024xf32> to vector<8x8x1024xf32>
    %slice3A_28 = vector.extract_strided_slice %mul3A {offsets = [0, 8, 0], sizes = [8, 8, 1024], strides = [1, 1, 1]} : vector<8x16x1024xf32> to vector<8x8x1024xf32>
    %mul3A_29 = arith.mulf %slice3A_27, %slice3A_28 : vector<8x8x1024xf32>
    %roll3A = arith.constant 4 : i32
    %roll3A_30 = tpu.dynamic_rotate %mul3A_29 by %roll3A dim 1 : vector<8x8x1024xf32>, i32 -> vector<8x8x1024xf32>
    %mul3A_31 = arith.mulf %mul3A_29, %roll3A_30 : vector<8x8x1024xf32>
    %roll3A_32 = arith.constant 2 : i32
    %roll3A_33 = tpu.dynamic_rotate %mul3A_31 by %roll3A_32 dim 1 : vector<8x8x1024xf32>, i32 -> vector<8x8x1024xf32>
    %mul3A_34 = arith.mulf %mul3A_31, %roll3A_33 : vector<8x8x1024xf32>
    %roll3A_35 = arith.constant 1 : i32
    %roll3A_36 = tpu.dynamic_rotate %mul3A_34 by %roll3A_35 dim 1 : vector<8x8x1024xf32>, i32 -> vector<8x8x1024xf32>
    %mul3A_37 = arith.mulf %mul3A_34, %roll3A_36 : vector<8x8x1024xf32>
    %reduce_sum3A = arith.constant dense<0.000000e+00> : vector<8x1024xf32>
    %reduce_sum3A_38 = vector.multi_reduction <add>, %mul3A_37, %reduce_sum3A [0] : vector<8x8x1024xf32> to vector<8x1024xf32>
    %add3A_39 = arith.addf %broadcast_in_dim3A_13, %reduce_sum3A_38 : vector<8x1024xf32>
    %slice3A_40 = vector.extract_strided_slice %sub3A {offsets = [1, 0, 0], sizes = [1, 32, 1024], strides = [1, 1, 1]} : vector<8x32x1024xf32> to vector<1x32x1024xf32>
    %squeeze3A_41 = vector.shape_cast %slice3A_40 : vector<1x32x1024xf32> to vector<32x1024xf32>
    %broadcast_in_dim3A_42 = vector.shape_cast %squeeze3A_41 : vector<32x1024xf32> to vector<1x32x1024xf32>
    %max3A_43 = vector.broadcast %broadcast_in_dim3A_42 : vector<1x32x1024xf32> to vector<8x32x1024xf32>
    %max3A_44 = arith.maximumf %max3A_43, %sub3A_11 : vector<8x32x1024xf32>
    %slice3A_45 = vector.extract_strided_slice %add3A {offsets = [1, 0, 0], sizes = [1, 32, 1024], strides = [1, 1, 1]} : vector<8x32x1024xf32> to vector<1x32x1024xf32>
    %squeeze3A_46 = vector.shape_cast %slice3A_45 : vector<1x32x1024xf32> to vector<32x1024xf32>
    %broadcast_in_dim3A_47 = vector.shape_cast %squeeze3A_46 : vector<32x1024xf32> to vector<1x32x1024xf32>
    %min3A_48 = vector.broadcast %broadcast_in_dim3A_47 : vector<1x32x1024xf32> to vector<8x32x1024xf32>
    %min3A_49 = arith.minimumf %min3A_48, %add3A_12 : vector<8x32x1024xf32>
    %sub3A_50 = arith.subf %min3A_49, %max3A_44 : vector<8x32x1024xf32>
    %max3A_51 = arith.constant 0.000000e+00 : f32
    %max3A_52 = vector.broadcast %max3A_51 : f32 to vector<8x32x1024xf32>
    %max3A_53 = arith.maximumf %sub3A_50, %max3A_52 : vector<8x32x1024xf32>
    %slice3A_54 = vector.extract_strided_slice %max3A_53 {offsets = [0, 0, 0], sizes = [8, 16, 1024], strides = [1, 1, 1]} : vector<8x32x1024xf32> to vector<8x16x1024xf32>
    %slice3A_55 = vector.extract_strided_slice %max3A_53 {offsets = [0, 16, 0], sizes = [8, 16, 1024], strides = [1, 1, 1]} : vector<8x32x1024xf32> to vector<8x16x1024xf32>
    %mul3A_56 = arith.mulf %slice3A_54, %slice3A_55 : vector<8x16x1024xf32>
    %slice3A_57 = vector.extract_strided_slice %mul3A_56 {offsets = [0, 0, 0], sizes = [8, 8, 1024], strides = [1, 1, 1]} : vector<8x16x1024xf32> to vector<8x8x1024xf32>
    %slice3A_58 = vector.extract_strided_slice %mul3A_56 {offsets = [0, 8, 0], sizes = [8, 8, 1024], strides = [1, 1, 1]} : vector<8x16x1024xf32> to vector<8x8x1024xf32>
    %mul3A_59 = arith.mulf %slice3A_57, %slice3A_58 : vector<8x8x1024xf32>
    %roll3A_60 = arith.constant 4 : i32
    %roll3A_61 = tpu.dynamic_rotate %mul3A_59 by %roll3A_60 dim 1 : vector<8x8x1024xf32>, i32 -> vector<8x8x1024xf32>
    %mul3A_62 = arith.mulf %mul3A_59, %roll3A_61 : vector<8x8x1024xf32>
    %roll3A_63 = arith.constant 2 : i32
    %roll3A_64 = tpu.dynamic_rotate %mul3A_62 by %roll3A_63 dim 1 : vector<8x8x1024xf32>, i32 -> vector<8x8x1024xf32>
    %mul3A_65 = arith.mulf %mul3A_62, %roll3A_64 : vector<8x8x1024xf32>
    %roll3A_66 = arith.constant 1 : i32
    %roll3A_67 = tpu.dynamic_rotate %mul3A_65 by %roll3A_66 dim 1 : vector<8x8x1024xf32>, i32 -> vector<8x8x1024xf32>
    %mul3A_68 = arith.mulf %mul3A_65, %roll3A_67 : vector<8x8x1024xf32>
    %reduce_sum3A_69 = arith.constant dense<0.000000e+00> : vector<8x1024xf32>
    %reduce_sum3A_70 = vector.multi_reduction <add>, %mul3A_68, %reduce_sum3A_69 [0] : vector<8x8x1024xf32> to vector<8x1024xf32>
    %add3A_71 = arith.addf %add3A_39, %reduce_sum3A_70 : vector<8x1024xf32>
    %slice3A_72 = vector.extract_strided_slice %sub3A {offsets = [2, 0, 0], sizes = [1, 32, 1024], strides = [1, 1, 1]} : vector<8x32x1024xf32> to vector<1x32x1024xf32>
    %squeeze3A_73 = vector.shape_cast %slice3A_72 : vector<1x32x1024xf32> to vector<32x1024xf32>
    %broadcast_in_dim3A_74 = vector.shape_cast %squeeze3A_73 : vector<32x1024xf32> to vector<1x32x1024xf32>
    %max3A_75 = vector.broadcast %broadcast_in_dim3A_74 : vector<1x32x1024xf32> to vector<8x32x1024xf32>
    %max3A_76 = arith.maximumf %max3A_75, %sub3A_11 : vector<8x32x1024xf32>
    %slice3A_77 = vector.extract_strided_slice %add3A {offsets = [2, 0, 0], sizes = [1, 32, 1024], strides = [1, 1, 1]} : vector<8x32x1024xf32> to vector<1x32x1024xf32>
    %squeeze3A_78 = vector.shape_cast %slice3A_77 : vector<1x32x1024xf32> to vector<32x1024xf32>
    %broadcast_in_dim3A_79 = vector.shape_cast %squeeze3A_78 : vector<32x1024xf32> to vector<1x32x1024xf32>
    %min3A_80 = vector.broadcast %broadcast_in_dim3A_79 : vector<1x32x1024xf32> to vector<8x32x1024xf32>
    %min3A_81 = arith.minimumf %min3A_80, %add3A_12 : vector<8x32x1024xf32>
    %sub3A_82 = arith.subf %min3A_81, %max3A_76 : vector<8x32x1024xf32>
    %max3A_83 = arith.constant 0.000000e+00 : f32
    %max3A_84 = vector.broadcast %max3A_83 : f32 to vector<8x32x1024xf32>
    %max3A_85 = arith.maximumf %sub3A_82, %max3A_84 : vector<8x32x1024xf32>
    %slice3A_86 = vector.extract_strided_slice %max3A_85 {offsets = [0, 0, 0], sizes = [8, 16, 1024], strides = [1, 1, 1]} : vector<8x32x1024xf32> to vector<8x16x1024xf32>
    %slice3A_87 = vector.extract_strided_slice %max3A_85 {offsets = [0, 16, 0], sizes = [8, 16, 1024], strides = [1, 1, 1]} : vector<8x32x1024xf32> to vector<8x16x1024xf32>
    %mul3A_88 = arith.mulf %slice3A_86, %slice3A_87 : vector<8x16x1024xf32>
    %slice3A_89 = vector.extract_strided_slice %mul3A_88 {offsets = [0, 0, 0], sizes = [8, 8, 1024], strides = [1, 1, 1]} : vector<8x16x1024xf32> to vector<8x8x1024xf32>
    %slice3A_90 = vector.extract_strided_slice %mul3A_88 {offsets = [0, 8, 0], sizes = [8, 8, 1024], strides = [1, 1, 1]} : vector<8x16x1024xf32> to vector<8x8x1024xf32>
    %mul3A_91 = arith.mulf %slice3A_89, %slice3A_90 : vector<8x8x1024xf32>
    %roll3A_92 = arith.constant 4 : i32
    %roll3A_93 = tpu.dynamic_rotate %mul3A_91 by %roll3A_92 dim 1 : vector<8x8x1024xf32>, i32 -> vector<8x8x1024xf32>
    %mul3A_94 = arith.mulf %mul3A_91, %roll3A_93 : vector<8x8x1024xf32>
    %roll3A_95 = arith.constant 2 : i32
    %roll3A_96 = tpu.dynamic_rotate %mul3A_94 by %roll3A_95 dim 1 : vector<8x8x1024xf32>, i32 -> vector<8x8x1024xf32>
    %mul3A_97 = arith.mulf %mul3A_94, %roll3A_96 : vector<8x8x1024xf32>
    %roll3A_98 = arith.constant 1 : i32
    %roll3A_99 = tpu.dynamic_rotate %mul3A_97 by %roll3A_98 dim 1 : vector<8x8x1024xf32>, i32 -> vector<8x8x1024xf32>
    %mul3A_100 = arith.mulf %mul3A_97, %roll3A_99 : vector<8x8x1024xf32>
    %reduce_sum3A_101 = arith.constant dense<0.000000e+00> : vector<8x1024xf32>
    %reduce_sum3A_102 = vector.multi_reduction <add>, %mul3A_100, %reduce_sum3A_101 [0] : vector<8x8x1024xf32> to vector<8x1024xf32>
    %add3A_103 = arith.addf %add3A_71, %reduce_sum3A_102 : vector<8x1024xf32>
    %slice3A_104 = vector.extract_strided_slice %sub3A {offsets = [3, 0, 0], sizes = [1, 32, 1024], strides = [1, 1, 1]} : vector<8x32x1024xf32> to vector<1x32x1024xf32>
    %squeeze3A_105 = vector.shape_cast %slice3A_104 : vector<1x32x1024xf32> to vector<32x1024xf32>
    %broadcast_in_dim3A_106 = vector.shape_cast %squeeze3A_105 : vector<32x1024xf32> to vector<1x32x1024xf32>
    %max3A_107 = vector.broadcast %broadcast_in_dim3A_106 : vector<1x32x1024xf32> to vector<8x32x1024xf32>
    %max3A_108 = arith.maximumf %max3A_107, %sub3A_11 : vector<8x32x1024xf32>
    %slice3A_109 = vector.extract_strided_slice %add3A {offsets = [3, 0, 0], sizes = [1, 32, 1024], strides = [1, 1, 1]} : vector<8x32x1024xf32> to vector<1x32x1024xf32>
    %squeeze3A_110 = vector.shape_cast %slice3A_109 : vector<1x32x1024xf32> to vector<32x1024xf32>
    %broadcast_in_dim3A_111 = vector.shape_cast %squeeze3A_110 : vector<32x1024xf32> to vector<1x32x1024xf32>
    %min3A_112 = vector.broadcast %broadcast_in_dim3A_111 : vector<1x32x1024xf32> to vector<8x32x1024xf32>
    %min3A_113 = arith.minimumf %min3A_112, %add3A_12 : vector<8x32x1024xf32>
    %sub3A_114 = arith.subf %min3A_113, %max3A_108 : vector<8x32x1024xf32>
    %max3A_115 = arith.constant 0.000000e+00 : f32
    %max3A_116 = vector.broadcast %max3A_115 : f32 to vector<8x32x1024xf32>
    %max3A_117 = arith.maximumf %sub3A_114, %max3A_116 : vector<8x32x1024xf32>
    %slice3A_118 = vector.extract_strided_slice %max3A_117 {offsets = [0, 0, 0], sizes = [8, 16, 1024], strides = [1, 1, 1]} : vector<8x32x1024xf32> to vector<8x16x1024xf32>
    %slice3A_119 = vector.extract_strided_slice %max3A_117 {offsets = [0, 16, 0], sizes = [8, 16, 1024], strides = [1, 1, 1]} : vector<8x32x1024xf32> to vector<8x16x1024xf32>
    %mul3A_120 = arith.mulf %slice3A_118, %slice3A_119 : vector<8x16x1024xf32>
    %slice3A_121 = vector.extract_strided_slice %mul3A_120 {offsets = [0, 0, 0], sizes = [8, 8, 1024], strides = [1, 1, 1]} : vector<8x16x1024xf32> to vector<8x8x1024xf32>
    %slice3A_122 = vector.extract_strided_slice %mul3A_120 {offsets = [0, 8, 0], sizes = [8, 8, 1024], strides = [1, 1, 1]} : vector<8x16x1024xf32> to vector<8x8x1024xf32>
    %mul3A_123 = arith.mulf %slice3A_121, %slice3A_122 : vector<8x8x1024xf32>
    %roll3A_124 = arith.constant 4 : i32
    %roll3A_125 = tpu.dynamic_rotate %mul3A_123 by %roll3A_124 dim 1 : vector<8x8x1024xf32>, i32 -> vector<8x8x1024xf32>
    %mul3A_126 = arith.mulf %mul3A_123, %roll3A_125 : vector<8x8x1024xf32>
    %roll3A_127 = arith.constant 2 : i32
    %roll3A_128 = tpu.dynamic_rotate %mul3A_126 by %roll3A_127 dim 1 : vector<8x8x1024xf32>, i32 -> vector<8x8x1024xf32>
    %mul3A_129 = arith.mulf %mul3A_126, %roll3A_128 : vector<8x8x1024xf32>
    %roll3A_130 = arith.constant 1 : i32
    %roll3A_131 = tpu.dynamic_rotate %mul3A_129 by %roll3A_130 dim 1 : vector<8x8x1024xf32>, i32 -> vector<8x8x1024xf32>
    %mul3A_132 = arith.mulf %mul3A_129, %roll3A_131 : vector<8x8x1024xf32>
    %reduce_sum3A_133 = arith.constant dense<0.000000e+00> : vector<8x1024xf32>
    %reduce_sum3A_134 = vector.multi_reduction <add>, %mul3A_132, %reduce_sum3A_133 [0] : vector<8x8x1024xf32> to vector<8x1024xf32>
    %add3A_135 = arith.addf %add3A_103, %reduce_sum3A_134 : vector<8x1024xf32>
    %slice3A_136 = vector.extract_strided_slice %sub3A {offsets = [4, 0, 0], sizes = [1, 32, 1024], strides = [1, 1, 1]} : vector<8x32x1024xf32> to vector<1x32x1024xf32>
    %squeeze3A_137 = vector.shape_cast %slice3A_136 : vector<1x32x1024xf32> to vector<32x1024xf32>
    %broadcast_in_dim3A_138 = vector.shape_cast %squeeze3A_137 : vector<32x1024xf32> to vector<1x32x1024xf32>
    %max3A_139 = vector.broadcast %broadcast_in_dim3A_138 : vector<1x32x1024xf32> to vector<8x32x1024xf32>
    %max3A_140 = arith.maximumf %max3A_139, %sub3A_11 : vector<8x32x1024xf32>
    %slice3A_141 = vector.extract_strided_slice %add3A {offsets = [4, 0, 0], sizes = [1, 32, 1024], strides = [1, 1, 1]} : vector<8x32x1024xf32> to vector<1x32x1024xf32>
    %squeeze3A_142 = vector.shape_cast %slice3A_141 : vector<1x32x1024xf32> to vector<32x1024xf32>
    %broadcast_in_dim3A_143 = vector.shape_cast %squeeze3A_142 : vector<32x1024xf32> to vector<1x32x1024xf32>
    %min3A_144 = vector.broadcast %broadcast_in_dim3A_143 : vector<1x32x1024xf32> to vector<8x32x1024xf32>
    %min3A_145 = arith.minimumf %min3A_144, %add3A_12 : vector<8x32x1024xf32>
    %sub3A_146 = arith.subf %min3A_145, %max3A_140 : vector<8x32x1024xf32>
    %max3A_147 = arith.constant 0.000000e+00 : f32
    %max3A_148 = vector.broadcast %max3A_147 : f32 to vector<8x32x1024xf32>
    %max3A_149 = arith.maximumf %sub3A_146, %max3A_148 : vector<8x32x1024xf32>
    %slice3A_150 = vector.extract_strided_slice %max3A_149 {offsets = [0, 0, 0], sizes = [8, 16, 1024], strides = [1, 1, 1]} : vector<8x32x1024xf32> to vector<8x16x1024xf32>
    %slice3A_151 = vector.extract_strided_slice %max3A_149 {offsets = [0, 16, 0], sizes = [8, 16, 1024], strides = [1, 1, 1]} : vector<8x32x1024xf32> to vector<8x16x1024xf32>
    %mul3A_152 = arith.mulf %slice3A_150, %slice3A_151 : vector<8x16x1024xf32>
    %slice3A_153 = vector.extract_strided_slice %mul3A_152 {offsets = [0, 0, 0], sizes = [8, 8, 1024], strides = [1, 1, 1]} : vector<8x16x1024xf32> to vector<8x8x1024xf32>
    %slice3A_154 = vector.extract_strided_slice %mul3A_152 {offsets = [0, 8, 0], sizes = [8, 8, 1024], strides = [1, 1, 1]} : vector<8x16x1024xf32> to vector<8x8x1024xf32>
    %mul3A_155 = arith.mulf %slice3A_153, %slice3A_154 : vector<8x8x1024xf32>
    %roll3A_156 = arith.constant 4 : i32
    %roll3A_157 = tpu.dynamic_rotate %mul3A_155 by %roll3A_156 dim 1 : vector<8x8x1024xf32>, i32 -> vector<8x8x1024xf32>
    %mul3A_158 = arith.mulf %mul3A_155, %roll3A_157 : vector<8x8x1024xf32>
    %roll3A_159 = arith.constant 2 : i32
    %roll3A_160 = tpu.dynamic_rotate %mul3A_158 by %roll3A_159 dim 1 : vector<8x8x1024xf32>, i32 -> vector<8x8x1024xf32>
    %mul3A_161 = arith.mulf %mul3A_158, %roll3A_160 : vector<8x8x1024xf32>
    %roll3A_162 = arith.constant 1 : i32
    %roll3A_163 = tpu.dynamic_rotate %mul3A_161 by %roll3A_162 dim 1 : vector<8x8x1024xf32>, i32 -> vector<8x8x1024xf32>
    %mul3A_164 = arith.mulf %mul3A_161, %roll3A_163 : vector<8x8x1024xf32>
    %reduce_sum3A_165 = arith.constant dense<0.000000e+00> : vector<8x1024xf32>
    %reduce_sum3A_166 = vector.multi_reduction <add>, %mul3A_164, %reduce_sum3A_165 [0] : vector<8x8x1024xf32> to vector<8x1024xf32>
    %add3A_167 = arith.addf %add3A_135, %reduce_sum3A_166 : vector<8x1024xf32>
    %slice3A_168 = vector.extract_strided_slice %sub3A {offsets = [5, 0, 0], sizes = [1, 32, 1024], strides = [1, 1, 1]} : vector<8x32x1024xf32> to vector<1x32x1024xf32>
    %squeeze3A_169 = vector.shape_cast %slice3A_168 : vector<1x32x1024xf32> to vector<32x1024xf32>
    %broadcast_in_dim3A_170 = vector.shape_cast %squeeze3A_169 : vector<32x1024xf32> to vector<1x32x1024xf32>
    %max3A_171 = vector.broadcast %broadcast_in_dim3A_170 : vector<1x32x1024xf32> to vector<8x32x1024xf32>
    %max3A_172 = arith.maximumf %max3A_171, %sub3A_11 : vector<8x32x1024xf32>
    %slice3A_173 = vector.extract_strided_slice %add3A {offsets = [5, 0, 0], sizes = [1, 32, 1024], strides = [1, 1, 1]} : vector<8x32x1024xf32> to vector<1x32x1024xf32>
    %squeeze3A_174 = vector.shape_cast %slice3A_173 : vector<1x32x1024xf32> to vector<32x1024xf32>
    %broadcast_in_dim3A_175 = vector.shape_cast %squeeze3A_174 : vector<32x1024xf32> to vector<1x32x1024xf32>
    %min3A_176 = vector.broadcast %broadcast_in_dim3A_175 : vector<1x32x1024xf32> to vector<8x32x1024xf32>
    %min3A_177 = arith.minimumf %min3A_176, %add3A_12 : vector<8x32x1024xf32>
    %sub3A_178 = arith.subf %min3A_177, %max3A_172 : vector<8x32x1024xf32>
    %max3A_179 = arith.constant 0.000000e+00 : f32
    %max3A_180 = vector.broadcast %max3A_179 : f32 to vector<8x32x1024xf32>
    %max3A_181 = arith.maximumf %sub3A_178, %max3A_180 : vector<8x32x1024xf32>
    %slice3A_182 = vector.extract_strided_slice %max3A_181 {offsets = [0, 0, 0], sizes = [8, 16, 1024], strides = [1, 1, 1]} : vector<8x32x1024xf32> to vector<8x16x1024xf32>
    %slice3A_183 = vector.extract_strided_slice %max3A_181 {offsets = [0, 16, 0], sizes = [8, 16, 1024], strides = [1, 1, 1]} : vector<8x32x1024xf32> to vector<8x16x1024xf32>
    %mul3A_184 = arith.mulf %slice3A_182, %slice3A_183 : vector<8x16x1024xf32>
    %slice3A_185 = vector.extract_strided_slice %mul3A_184 {offsets = [0, 0, 0], sizes = [8, 8, 1024], strides = [1, 1, 1]} : vector<8x16x1024xf32> to vector<8x8x1024xf32>
    %slice3A_186 = vector.extract_strided_slice %mul3A_184 {offsets = [0, 8, 0], sizes = [8, 8, 1024], strides = [1, 1, 1]} : vector<8x16x1024xf32> to vector<8x8x1024xf32>
    %mul3A_187 = arith.mulf %slice3A_185, %slice3A_186 : vector<8x8x1024xf32>
    %roll3A_188 = arith.constant 4 : i32
    %roll3A_189 = tpu.dynamic_rotate %mul3A_187 by %roll3A_188 dim 1 : vector<8x8x1024xf32>, i32 -> vector<8x8x1024xf32>
    %mul3A_190 = arith.mulf %mul3A_187, %roll3A_189 : vector<8x8x1024xf32>
    %roll3A_191 = arith.constant 2 : i32
    %roll3A_192 = tpu.dynamic_rotate %mul3A_190 by %roll3A_191 dim 1 : vector<8x8x1024xf32>, i32 -> vector<8x8x1024xf32>
    %mul3A_193 = arith.mulf %mul3A_190, %roll3A_192 : vector<8x8x1024xf32>
    %roll3A_194 = arith.constant 1 : i32
    %roll3A_195 = tpu.dynamic_rotate %mul3A_193 by %roll3A_194 dim 1 : vector<8x8x1024xf32>, i32 -> vector<8x8x1024xf32>
    %mul3A_196 = arith.mulf %mul3A_193, %roll3A_195 : vector<8x8x1024xf32>
    %reduce_sum3A_197 = arith.constant dense<0.000000e+00> : vector<8x1024xf32>
    %reduce_sum3A_198 = vector.multi_reduction <add>, %mul3A_196, %reduce_sum3A_197 [0] : vector<8x8x1024xf32> to vector<8x1024xf32>
    %add3A_199 = arith.addf %add3A_167, %reduce_sum3A_198 : vector<8x1024xf32>
    %slice3A_200 = vector.extract_strided_slice %sub3A {offsets = [6, 0, 0], sizes = [1, 32, 1024], strides = [1, 1, 1]} : vector<8x32x1024xf32> to vector<1x32x1024xf32>
    %squeeze3A_201 = vector.shape_cast %slice3A_200 : vector<1x32x1024xf32> to vector<32x1024xf32>
    %broadcast_in_dim3A_202 = vector.shape_cast %squeeze3A_201 : vector<32x1024xf32> to vector<1x32x1024xf32>
    %max3A_203 = vector.broadcast %broadcast_in_dim3A_202 : vector<1x32x1024xf32> to vector<8x32x1024xf32>
    %max3A_204 = arith.maximumf %max3A_203, %sub3A_11 : vector<8x32x1024xf32>
    %slice3A_205 = vector.extract_strided_slice %add3A {offsets = [6, 0, 0], sizes = [1, 32, 1024], strides = [1, 1, 1]} : vector<8x32x1024xf32> to vector<1x32x1024xf32>
    %squeeze3A_206 = vector.shape_cast %slice3A_205 : vector<1x32x1024xf32> to vector<32x1024xf32>
    %broadcast_in_dim3A_207 = vector.shape_cast %squeeze3A_206 : vector<32x1024xf32> to vector<1x32x1024xf32>
    %min3A_208 = vector.broadcast %broadcast_in_dim3A_207 : vector<1x32x1024xf32> to vector<8x32x1024xf32>
    %min3A_209 = arith.minimumf %min3A_208, %add3A_12 : vector<8x32x1024xf32>
    %sub3A_210 = arith.subf %min3A_209, %max3A_204 : vector<8x32x1024xf32>
    %max3A_211 = arith.constant 0.000000e+00 : f32
    %max3A_212 = vector.broadcast %max3A_211 : f32 to vector<8x32x1024xf32>
    %max3A_213 = arith.maximumf %sub3A_210, %max3A_212 : vector<8x32x1024xf32>
    %slice3A_214 = vector.extract_strided_slice %max3A_213 {offsets = [0, 0, 0], sizes = [8, 16, 1024], strides = [1, 1, 1]} : vector<8x32x1024xf32> to vector<8x16x1024xf32>
    %slice3A_215 = vector.extract_strided_slice %max3A_213 {offsets = [0, 16, 0], sizes = [8, 16, 1024], strides = [1, 1, 1]} : vector<8x32x1024xf32> to vector<8x16x1024xf32>
    %mul3A_216 = arith.mulf %slice3A_214, %slice3A_215 : vector<8x16x1024xf32>
    %slice3A_217 = vector.extract_strided_slice %mul3A_216 {offsets = [0, 0, 0], sizes = [8, 8, 1024], strides = [1, 1, 1]} : vector<8x16x1024xf32> to vector<8x8x1024xf32>
    %slice3A_218 = vector.extract_strided_slice %mul3A_216 {offsets = [0, 8, 0], sizes = [8, 8, 1024], strides = [1, 1, 1]} : vector<8x16x1024xf32> to vector<8x8x1024xf32>
    %mul3A_219 = arith.mulf %slice3A_217, %slice3A_218 : vector<8x8x1024xf32>
    %roll3A_220 = arith.constant 4 : i32
    %roll3A_221 = tpu.dynamic_rotate %mul3A_219 by %roll3A_220 dim 1 : vector<8x8x1024xf32>, i32 -> vector<8x8x1024xf32>
    %mul3A_222 = arith.mulf %mul3A_219, %roll3A_221 : vector<8x8x1024xf32>
    %roll3A_223 = arith.constant 2 : i32
    %roll3A_224 = tpu.dynamic_rotate %mul3A_222 by %roll3A_223 dim 1 : vector<8x8x1024xf32>, i32 -> vector<8x8x1024xf32>
    %mul3A_225 = arith.mulf %mul3A_222, %roll3A_224 : vector<8x8x1024xf32>
    %roll3A_226 = arith.constant 1 : i32
    %roll3A_227 = tpu.dynamic_rotate %mul3A_225 by %roll3A_226 dim 1 : vector<8x8x1024xf32>, i32 -> vector<8x8x1024xf32>
    %mul3A_228 = arith.mulf %mul3A_225, %roll3A_227 : vector<8x8x1024xf32>
    %reduce_sum3A_229 = arith.constant dense<0.000000e+00> : vector<8x1024xf32>
    %reduce_sum3A_230 = vector.multi_reduction <add>, %mul3A_228, %reduce_sum3A_229 [0] : vector<8x8x1024xf32> to vector<8x1024xf32>
    %add3A_231 = arith.addf %add3A_199, %reduce_sum3A_230 : vector<8x1024xf32>
    %slice3A_232 = vector.extract_strided_slice %sub3A {offsets = [7, 0, 0], sizes = [1, 32, 1024], strides = [1, 1, 1]} : vector<8x32x1024xf32> to vector<1x32x1024xf32>
    %squeeze3A_233 = vector.shape_cast %slice3A_232 : vector<1x32x1024xf32> to vector<32x1024xf32>
    %broadcast_in_dim3A_234 = vector.shape_cast %squeeze3A_233 : vector<32x1024xf32> to vector<1x32x1024xf32>
    %max3A_235 = vector.broadcast %broadcast_in_dim3A_234 : vector<1x32x1024xf32> to vector<8x32x1024xf32>
    %max3A_236 = arith.maximumf %max3A_235, %sub3A_11 : vector<8x32x1024xf32>
    %slice3A_237 = vector.extract_strided_slice %add3A {offsets = [7, 0, 0], sizes = [1, 32, 1024], strides = [1, 1, 1]} : vector<8x32x1024xf32> to vector<1x32x1024xf32>
    %squeeze3A_238 = vector.shape_cast %slice3A_237 : vector<1x32x1024xf32> to vector<32x1024xf32>
    %broadcast_in_dim3A_239 = vector.shape_cast %squeeze3A_238 : vector<32x1024xf32> to vector<1x32x1024xf32>
    %min3A_240 = vector.broadcast %broadcast_in_dim3A_239 : vector<1x32x1024xf32> to vector<8x32x1024xf32>
    %min3A_241 = arith.minimumf %min3A_240, %add3A_12 : vector<8x32x1024xf32>
    %sub3A_242 = arith.subf %min3A_241, %max3A_236 : vector<8x32x1024xf32>
    %max3A_243 = arith.constant 0.000000e+00 : f32
    %max3A_244 = vector.broadcast %max3A_243 : f32 to vector<8x32x1024xf32>
    %max3A_245 = arith.maximumf %sub3A_242, %max3A_244 : vector<8x32x1024xf32>
    %slice3A_246 = vector.extract_strided_slice %max3A_245 {offsets = [0, 0, 0], sizes = [8, 16, 1024], strides = [1, 1, 1]} : vector<8x32x1024xf32> to vector<8x16x1024xf32>
    %slice3A_247 = vector.extract_strided_slice %max3A_245 {offsets = [0, 16, 0], sizes = [8, 16, 1024], strides = [1, 1, 1]} : vector<8x32x1024xf32> to vector<8x16x1024xf32>
    %mul3A_248 = arith.mulf %slice3A_246, %slice3A_247 : vector<8x16x1024xf32>
    %slice3A_249 = vector.extract_strided_slice %mul3A_248 {offsets = [0, 0, 0], sizes = [8, 8, 1024], strides = [1, 1, 1]} : vector<8x16x1024xf32> to vector<8x8x1024xf32>
    %slice3A_250 = vector.extract_strided_slice %mul3A_248 {offsets = [0, 8, 0], sizes = [8, 8, 1024], strides = [1, 1, 1]} : vector<8x16x1024xf32> to vector<8x8x1024xf32>
    %mul3A_251 = arith.mulf %slice3A_249, %slice3A_250 : vector<8x8x1024xf32>
    %roll3A_252 = arith.constant 4 : i32
    %roll3A_253 = tpu.dynamic_rotate %mul3A_251 by %roll3A_252 dim 1 : vector<8x8x1024xf32>, i32 -> vector<8x8x1024xf32>
    %mul3A_254 = arith.mulf %mul3A_251, %roll3A_253 : vector<8x8x1024xf32>
    %roll3A_255 = arith.constant 2 : i32
    %roll3A_256 = tpu.dynamic_rotate %mul3A_254 by %roll3A_255 dim 1 : vector<8x8x1024xf32>, i32 -> vector<8x8x1024xf32>
    %mul3A_257 = arith.mulf %mul3A_254, %roll3A_256 : vector<8x8x1024xf32>
    %roll3A_258 = arith.constant 1 : i32
    %roll3A_259 = tpu.dynamic_rotate %mul3A_257 by %roll3A_258 dim 1 : vector<8x8x1024xf32>, i32 -> vector<8x8x1024xf32>
    %mul3A_260 = arith.mulf %mul3A_257, %roll3A_259 : vector<8x8x1024xf32>
    %reduce_sum3A_261 = arith.constant dense<0.000000e+00> : vector<8x1024xf32>
    %reduce_sum3A_262 = vector.multi_reduction <add>, %mul3A_260, %reduce_sum3A_261 [0] : vector<8x8x1024xf32> to vector<8x1024xf32>
    %add3A_263 = arith.addf %add3A_231, %reduce_sum3A_262 : vector<8x1024xf32>
    %mul3A_264 = arith.constant 2.000000e+00 : f32
    %mul3A_265 = vector.broadcast %mul3A_264 : f32 to vector<8x32x1024xf32>
    %mul3A_266 = arith.mulf %mul3A_265, %abs3A : vector<8x32x1024xf32>
    %slice3A_267 = vector.extract_strided_slice %mul3A_266 {offsets = [0, 0, 0], sizes = [8, 16, 1024], strides = [1, 1, 1]} : vector<8x32x1024xf32> to vector<8x16x1024xf32>
    %slice3A_268 = vector.extract_strided_slice %mul3A_266 {offsets = [0, 16, 0], sizes = [8, 16, 1024], strides = [1, 1, 1]} : vector<8x32x1024xf32> to vector<8x16x1024xf32>
    %mul3A_269 = arith.mulf %slice3A_267, %slice3A_268 : vector<8x16x1024xf32>
    %slice3A_270 = vector.extract_strided_slice %mul3A_269 {offsets = [0, 0, 0], sizes = [8, 8, 1024], strides = [1, 1, 1]} : vector<8x16x1024xf32> to vector<8x8x1024xf32>
    %slice3A_271 = vector.extract_strided_slice %mul3A_269 {offsets = [0, 8, 0], sizes = [8, 8, 1024], strides = [1, 1, 1]} : vector<8x16x1024xf32> to vector<8x8x1024xf32>
    %mul3A_272 = arith.mulf %slice3A_270, %slice3A_271 : vector<8x8x1024xf32>
    %roll3A_273 = arith.constant 4 : i32
    %roll3A_274 = tpu.dynamic_rotate %mul3A_272 by %roll3A_273 dim 1 : vector<8x8x1024xf32>, i32 -> vector<8x8x1024xf32>
    %mul3A_275 = arith.mulf %mul3A_272, %roll3A_274 : vector<8x8x1024xf32>
    %roll3A_276 = arith.constant 2 : i32
    %roll3A_277 = tpu.dynamic_rotate %mul3A_275 by %roll3A_276 dim 1 : vector<8x8x1024xf32>, i32 -> vector<8x8x1024xf32>
    %mul3A_278 = arith.mulf %mul3A_275, %roll3A_277 : vector<8x8x1024xf32>
    %roll3A_279 = arith.constant 1 : i32
    %roll3A_280 = tpu.dynamic_rotate %mul3A_278 by %roll3A_279 dim 1 : vector<8x8x1024xf32>, i32 -> vector<8x8x1024xf32>
    %mul3A_281 = arith.mulf %mul3A_278, %roll3A_280 : vector<8x8x1024xf32>
    %reduce_sum3A_282 = arith.constant dense<0.000000e+00> : vector<8x1024xf32>
    %reduce_sum3A_283 = vector.multi_reduction <add>, %mul3A_281, %reduce_sum3A_282 [0] : vector<8x8x1024xf32> to vector<8x1024xf32>
    %eq3A = arith.constant 0.000000e+00 : f32
    %eq3A_284 = vector.broadcast %eq3A : f32 to vector<8x1024xf32>
    %eq3A_285 = arith.cmpf oeq, %reduce_sum3A_283, %eq3A_284 : vector<8x1024xf32>
    %abs3A_286 = math.absf %reduce_sum3A_283 : vector<8x1024xf32>
    %eq3A_287 = arith.constant 0x7F800000 : f32
    %eq3A_288 = vector.broadcast %eq3A_287 : f32 to vector<8x1024xf32>
    %eq3A_289 = arith.cmpf oeq, %abs3A_286, %eq3A_288 : vector<8x1024xf32>
    %mul3A_290 = arith.constant 5.000000e-01 : f32
    %mul3A_291 = vector.broadcast %mul3A_290 : f32 to vector<8x1024xf32>
    %mul3A_292 = arith.mulf %add3A_263, %mul3A_291 : vector<8x1024xf32>
    %sub3A_293 = arith.constant 1.000000e+00 : f32
    %sub3A_294 = vector.broadcast %sub3A_293 : f32 to vector<8x1024xf32>
    %sub3A_295 = arith.subf %sub3A_294, %mul3A_292 : vector<8x1024xf32>
    %div3A = arith.divf %add3A_263, %reduce_sum3A_283 : vector<8x1024xf32>
    %sub3A_296 = arith.constant 1.000000e+00 : f32
    %sub3A_297 = vector.broadcast %sub3A_296 : f32 to vector<8x1024xf32>
    %sub3A_298 = arith.subf %sub3A_297, %div3A : vector<8x1024xf32>
    %select_n3A = arith.select %eq3A_289, %sub3A_295, %sub3A_298 : vector<8x1024xi1>, vector<8x1024xf32>
    %jit3A = arith.constant 0.000000e+00 : f32
    %broadcast_in_dim3A_299 = vector.broadcast %jit3A : f32 to vector<8x1024xf32>
    %select_n3A_300 = arith.select %eq3A_285, %broadcast_in_dim3A_299, %select_n3A : vector<8x1024xi1>, vector<8x1024xf32>
    %max3A_301 = arith.constant 0.000000e+00 : f32
    %max3A_302 = vector.broadcast %max3A_301 : f32 to vector<8x1024xf32>
    %max3A_303 = arith.maximumf %select_n3A_300, %max3A_302 : vector<8x1024xf32>
    %mul3A_304 = arith.mulf %max3A_303, %max3A_303 : vector<8x1024xf32>
    %reduce_sum3A_305 = vector.shape_cast %mul3A_304 : vector<8x1024xf32> to vector<1x8x1024xf32>
    %reduce_sum3A_306 = arith.constant dense<0.000000e+00> : vector<1xf32>
    %reduce_sum3A_307 = vector.multi_reduction <add>, %reduce_sum3A_305, %reduce_sum3A_306 [1, 2] : vector<1x8x1024xf32> to vector<1xf32>
    %reduce_sum3A_308 = vector.shape_cast %reduce_sum3A_307 : vector<1xf32> to vector<1x1x1xf32>
    %reduce_sum3A_309 = vector.extract %reduce_sum3A_308[0, 0, 0] : f32 from vector<1x1x1xf32>
    %mul3A_310 = arith.constant 1.250000e-01 : f32
    %mul3A_311 = arith.mulf %reduce_sum3A_309, %mul3A_310 : f32
    %eq3A_312 = arith.constant 0 : i32
    %eq3A_313 = arith.cmpi eq, %arg0, %eq3A_312 : i32
    %convert_element_type3A = arith.extui %eq3A_313 : i1 to i32
    %cond3A = arith.constant 0 : i32
    %cond3A_314 = arith.cmpi ne, %convert_element_type3A, %cond3A : i32
    scf.if %cond3A_314 {
      %get3A_326 = arith.constant 0 : index
      %get3A_327 = arith.constant 0 : index
      %get3A_328 = memref.load %arg1[%get3A_326, %get3A_327] : memref<1x1xf32, #tpu.memory_space<smem>>
      %swap3A_329 = arith.constant 0 : index
      %swap3A_330 = arith.constant 0 : index
      %swap3A_331 = memref.load %arg4[%swap3A_329, %swap3A_330] : memref<1x1xf32, #tpu.memory_space<smem>>
      memref.store %get3A_328, %arg4[%swap3A_329, %swap3A_330] : memref<1x1xf32, #tpu.memory_space<smem>>
    } else {
    }
    %get3A_315 = arith.constant 0 : index
    %get3A_316 = arith.constant 0 : index
    %get3A_317 = memref.load %arg4[%get3A_315, %get3A_316] : memref<1x1xf32, #tpu.memory_space<smem>>
    %add3A_318 = arith.addf %get3A_317, %mul3A_311 : f32
    %swap3A = arith.constant 0 : index
    %swap3A_319 = arith.constant 0 : index
    %swap3A_320 = memref.load %arg4[%swap3A, %swap3A_319] : memref<1x1xf32, #tpu.memory_space<smem>>
    memref.store %add3A_318, %arg4[%swap3A, %swap3A_319] : memref<1x1xf32, #tpu.memory_space<smem>>
    %eq3A_321 = arith.constant 1 : i32
    %eq3A_322 = arith.cmpi eq, %arg0, %eq3A_321 : i32
    %convert_element_type3A_323 = arith.extui %eq3A_322 : i1 to i32
    %cond3A_324 = arith.constant 0 : i32
    %cond3A_325 = arith.cmpi ne, %convert_element_type3A_323, %cond3A_324 : i32
    scf.if %cond3A_325 {
      %get3A_326 = arith.constant 0 : index
      %get3A_327 = arith.constant 0 : index
      %get3A_328 = memref.load %arg4[%get3A_326, %get3A_327] : memref<1x1xf32, #tpu.memory_space<smem>>
      %sqrt3A = math.sqrt %get3A_328 : f32
      %swap3A_329 = arith.constant 0 : index
      %swap3A_330 = arith.constant 0 : index
      %swap3A_331 = memref.load %arg4[%swap3A_329, %swap3A_330] : memref<1x1xf32, #tpu.memory_space<smem>>
      memref.store %sqrt3A, %arg4[%swap3A_329, %swap3A_330] : memref<1x1xf32, #tpu.memory_space<smem>>
    } else {
    }
    return
  }
  func.func @transform_0(%arg0: i32) -> (i32, i32) {
    %c0_i32 = arith.constant 0 : i32
    %c0_i32_0 = arith.constant 0 : i32
    %c0_i32_1 = arith.constant 0 : i32
    return %c0_i32, %c0_i32_0 : i32, i32
  }
  func.func @transform_1(%arg0: i32) -> (i32, i32) {
    %c0_i32 = arith.constant 0 : i32
    %c0_i32_0 = arith.constant 0 : i32
    return %arg0, %c0_i32 : i32, i32
  }
  func.func @transform_2(%arg0: i32) -> (i32, i32) {
    %add3A = arith.constant 2 : i32
    %add3A_0 = arith.addi %arg0, %add3A : i32
    %c0_i32 = arith.constant 0 : i32
    %c0_i32_1 = arith.constant 0 : i32
    return %add3A_0, %c0_i32 : i32, i32
  }
  func.func @transform_3(%arg0: i32) -> (i32, i32) {
    %c0_i32 = arith.constant 0 : i32
    %c0_i32_0 = arith.constant 0 : i32
    %c0_i32_1 = arith.constant 0 : i32
    return %c0_i32, %c0_i32_0 : i32, i32
  }
}

</mosaic_0001>

<sc_bundles>
// kernel: kernel.6.cloned.1.call-start
scs
__scs_entry_jumppad:
0x0: {  	(pc) =	sbr.rel $0x88, $3  }
0x1: {  	(tag) =	ssettag $0x0;
	lr =	simm.s32 $0x1  }
0x2: {  	[smem:$0x3F9F] =	sst lr;
	_ =	strace $0xD0000000  }
0x3: {  	_ = 	snop  }
0x4: {  	_ = 	snop  }
0x5: {  	_ = 	snop  }
0x6: {  	_ = 	snop  }
0x7: {  	_ = 	snop  }
__scs_overlays_trampoline_lowered:
0x8: {  	[smem:$0x3FAE] =	sst s0  }
0x9: {  	[smem:$0x3FAF] =	sst s1  }
0xa: {  	[smem:$0x3FB0] =	sst s2  }
0xb: {  	[smem:$0x3FB1] =	sst s3  }
0xc: {  	[smem:$0x3FB2] =	sst s4  }
0xd: {  	[smem:$0x3FB3] =	sst s5  }
0xe: {  	[smem:$0x3FB4] =	sst s6  }
0xf: {  	[smem:$0x3FB5] =	sst s7  }
0x10: {  	[smem:$0x3FB6] =	sst s8  }
0x11: {  	[smem:$0x3FB7] =	sst s9;
	s0 =	simm.s32 @!p0 $0x0  }
0x12: {  	s1 =	sld [smem:$0x3F9D];
	s0 =	simm.s32 @p0 $0x1  }
0x13: {  	[smem:$0x3FB8] =	sst s0;
	s0 =	simm.s32 @!p1 $0x0  }
0x14: {  	s2 =	sld [smem:$0x3F9C];
	s0 =	simm.s32 @p1 $0x1  }
0x15: {  	[smem:$0x3FB9] =	sst s0;
	s0 =	simm.s32 @!p2 $0x0  }
0x16: {  	s3 =	sld [smem:$0x3FDB];
	s0 =	simm.s32 @p2 $0x1  }
0x17: {  	s4 =	simm.s32 $0x1BF5;
	[smem:$0x3FBB] =	sst s0  }
0x18: {  	s0 =	sld [smem:$0x3F9E];
	_ =	swait.ge [sflag:s4], $0x0  }
0x19: {  	s7 =	sld [smem:$0x3F9F]  }
0x1a: {  	s8 =	sadd.s32 $0xFFFFE003, lr  }
0x1b: {  	s9 =	sadd.s32 $0xFFFFFEF7, lr;
	s5 =	simm.s32 $0xFFFFFFFF;
	p2 =	slt.u32 s8, $0xFFFFF086  }
0x1c: {  	p1 =	slt.u32 s9, $0xF7A;
	s5 =	simm.s32 @!p2 $0x0  }
0x1d: {  	s5 =	simm.s32 @p1 $0x1;
	p0 =	seq.s32 s7, s2  }
0x1e: {  	s7 =	smul.u32 @!p0 $0xF7A, s2;
	p2 =	seq.s32 @!p0 s5, $0x0  }
0x1f: {  	s9 =	smul.u32 $0xF7A, s1;
	s8 =	simm.s32 @!p0 $0x1BF5;
	p2 =	por !p2, p0  }
0x20: {  	[sflag:s8] =	ssyncset.s32 @!p0 $0xFFFFF086;
	s6 =	sadd.s32 @!p0 s3, s7;
	s7 =	simm.s32 @!p0 $0x108  }
0x21: {  	s3 =	sadd.s32 s3, s9;
	s6 =	sadd.s32 @!p0 $0x88, s6;
	s7 =	simm.s32 @p2 $0x1082  }
0x22: {  	[simem:s7], [sflag:s8] =	dma.local @!p0 [hbm:s6], $0xF7A  }
0x23: {  	s9 =	sor.u32 $0xD0000000, s2;
	s6 =	simm.s32 $0x108;
	_ =	swait.ge @!p0 [sflag:s8], $0x0  }
0x24: {  	s3 =	sadd.s32 $0x88, s3;
	s6 =	simm.s32 @!p1 $0x1082;
	[sflag:s4] =	ssyncset.s32 $0xFFFFF086  }
0x25: {  	[simem:s6], [sflag:s4] =	dma.local [hbm:s3], $0xF7A  }
0x26: {  	[smem:$0x3F9F] =	sst s1;
	(tag) =	ssettag s2;
	_ =	strace s9  }
0x27: {  	s1 =	sld [smem:$0x3FAF]  }
0x28: {  	s2 =	sld [smem:$0x3FB0]  }
0x29: {  	s4 =	sld [smem:$0x3FB2]  }
0x2a: {  	p0 =	seq.s32 s5, $0x0;
	s5 =	sld [smem:$0x3FB3]  }
0x2b: {  	s6 =	sld [smem:$0x3FB4]  }
0x2c: {  	s7 =	sld [smem:$0x3FB5]  }
0x2d: {  	s3 =	simm.s32 $0x108;
	s8 =	sld [smem:$0x3FB6]  }
0x2e: {  	s3 =	simm.s32 @!p0 $0x1082;
	s9 =	sld [smem:$0x3FB7]  }
0x2f: {  	lr =	sadd.s32 s0, s3;
	s0 =	sld [smem:$0x3FAE]  }
0x30: {  	s3 =	sld [smem:$0x3FB1]  }
0x31: {  	[smem:$0x3FBA] =	sst s10  }
0x32: {  	s10 =	sld [smem:$0x3FB8];
	_ =	sdelay $0x3  }
0x33: {  	p0 =	seq.s32 s10, $0x1;
	s10 =	sld [smem:$0x3FBA];
	_ =	sdelay $0x3  }
0x34: {  	[smem:$0x3FBA] =	sst s10  }
0x35: {  	s10 =	sld [smem:$0x3FB9];
	_ =	sdelay $0x3  }
0x36: {  	p1 =	seq.s32 s10, $0x1;
	s10 =	sld [smem:$0x3FBA];
	_ =	sdelay $0x3  }
0x37: {  	[smem:$0x3FBA] =	sst s10  }
0x38: {  	s10 =	sld [smem:$0x3FBB]  }
0x39: {  	_ = 	snop;
	(pc) =	sbr.ind lr, $3  }
0x3a: {  	_ = 	snop  }
0x3b: {  	_ = 	snop  }
0x3c: {  	p2 =	seq.s32 s10, $0x1;
	s10 =	sld [smem:$0x3FBA]  }
0x3d: {  	_ =	shalt  }
0x3e: {  	_ =	shalt  }
0x3f: {  	_ =	shalt  }
0x40: {  	_ =	shalt  }
0x41: {  	_ =	shalt  }
0x42: {  	_ =	shalt  }
0x43: {  	_ =	shalt  }
0x44: {  	_ =	shalt  }
0x45: {  	_ =	shalt  }
0x46: {  	_ =	shalt  }
0x47: {  	_ =	shalt  }
0x48: {  	_ =	shalt  }
0x49: {  	_ =	shalt  }
0x4a: {  	_ =	shalt  }
0x4b: {  	_ =	shalt  }
0x4c: {  	_ =	shalt  }
0x4d: {  	_ =	shalt  }
0x4e: {  	_ =	shalt  }
0x4f: {  	_ =	shalt  }
0x50: {  	_ =	shalt  }
0x51: {  	_ =	shalt  }
0x52: {  	_ =	shalt  }
0x53: {  	_ =	shalt  }
0x54: {  	_ =	shalt  }
0x55: {  	_ =	shalt  }
0x56: {  	_ =	shalt  }
0x57: {  	_ =	shalt  }
0x58: {  	_ =	shalt  }
0x59: {  	_ =	shalt  }
0x5a: {  	_ =	shalt  }
0x5b: {  	_ =	shalt  }
0x5c: {  	_ =	shalt  }
0x5d: {  	_ =	shalt  }
0x5e: {  	_ =	shalt  }
0x5f: {  	_ =	shalt  }
0x60: {  	_ =	shalt  }
0x61: {  	_ =	shalt  }
0x62: {  	_ =	shalt  }
0x63: {  	_ =	shalt  }
0x64: {  	_ =	shalt  }
0x65: {  	_ =	shalt  }
0x66: {  	_ =	shalt  }
0x67: {  	_ =	shalt  }
0x68: {  	_ =	shalt  }
0x69: {  	_ =	shalt  }
0x6a: {  	_ =	shalt  }
0x6b: {  	_ =	shalt  }
0x6c: {  	_ =	shalt  }
0x6d: {  	_ =	shalt  }
0x6e: {  	_ =	shalt  }
0x6f: {  	_ =	shalt  }
0x70: {  	_ =	shalt  }
0x71: {  	_ =	shalt  }
0x72: {  	_ =	shalt  }
0x73: {  	_ =	shalt  }
0x74: {  	_ =	shalt  }
0x75: {  	_ =	shalt  }
0x76: {  	_ =	shalt  }
0x77: {  	_ =	shalt  }
0x78: {  	_ =	shalt  }
0x79: {  	_ =	shalt  }
0x7a: {  	_ =	shalt  }
0x7b: {  	_ =	shalt  }
0x7c: {  	_ =	shalt  }
0x7d: {  	_ =	shalt  }
0x7e: {  	_ =	shalt  }
0x7f: {  	_ =	shalt  }
0x80: {  	_ =	shalt  }
0x81: {  	_ =	shalt  }
0x82: {  	_ =	shalt  }
0x83: {  	_ =	shalt  }
0x84: {  	_ =	shalt  }
0x85: {  	_ =	shalt  }
0x86: {  	_ =	shalt  }
0x87: {  	_ =	shalt  }
.Lfunc_end0:
.L_simem_size_0:
called_computation_lowered:
.L_overlay_start_0:
0x88: {  	s2 =	sld [smem:$0x3FD9]  }
0x89: {  	s3 =	sld [smem:$0x3FFE];
	_ =	sdelay $0x1  }
0x8a: {  	s1 =	srdreg.scid  }
0x8b: {  	s0 =	sand.u32 $0x1, s1  }
0x8c: {  	s17 =	sshll.u32 s0, $0xA;
	s2 =	sadd.s32 s3, s2  }
0x8d: {  	s2 =	sadd.s32 s2, s17  }
0x8e: {  	[smem:$0x3FC6] =	sst s2  }
0x8f: {  	_ = 	snop  }
0x90: {  	s2 =	sld [smem:$0x3FC8];
	(tm) =	ssettm $0x1  }
0x91: {  	s18 =	sld [smem:$0x3FFB];
	_ =	sdelay $0x3  }
0x92: {  	_ =	strace s18  }
0x93: {  	s3 =	sld [smem:$0x3FFC];
	_ =	sdelay $0x3  }
0x94: {  	_ =	strace s3  }
0x95: {  	s3 =	sld [smem:$0x3FFD];
	_ =	sdelay $0x3  }
0x96: {  	_ =	strace s3  }
0x97: {  	_ =	strace $0x8FFFFFFF  }
0x98: {  	s19 =	sld [smem:$0x3FDB];
	_ =	sdelay $0x1  }
0x99: {  	s4 =	simm.s32 $_scs_section_size  }
0x9a: {  	s5 =	simm.s32 $_size__tile_overlayer_lowered;
	s6 =	simm.s32 $_tile_overlayer_lowered  }
0x9b: {  	s22 =	simm.s32 $0x1BFF;
	s21 =	sshll.u32 s6, $0x1;
	s3 =	sadd.s32 s4, s19  }
0x9c: {  	s7 =	simm.s32 $0x0;
	s20 =	sshll.u32 s5, $0x1;
	s5 =	sadd.s32 s21, s3  }
0x9d: {  	[timem:s7], [sflag:s22] =	dma.local [hbm:s5], s20  }
0x9e: {  	_ =	swait.ge [sflag:s22], s20  }
0x9f: {  	s4 =	ssub.s32 $0x0, s20;
	[sflag:s22] =	ssyncset.done $0x0  }
0xa0: {  	[sflag:s22] =	ssyncadd.s32 s4;
	_ =	sdelay $0x1  }
0xa1: {  	s23 =	simm.s32 $0x1B8B  }
0xa2: {  	_ =	swait.ge [sflag:s23], $0x1  }
0xa3: {  	[sflag:s23] =	ssyncset.done $0x0  }
0xa4: {  	s25 =	simm.s32 $0x1B8E;
	s24 =	sld [smem:$0x3FFE];
	[sflag:s23] =	ssyncadd.s32 $0xFFFFFFFF  }
0xa5: {  	s26 =	simm.s32 $execute0_lowered;
	[smem:$0x3FD2] =	sst s25  }
0xa6: {  	s5 =	sshll.u32 s26, $0x1;
	_ =	strace $0x80000046;
	[dreg:$0x1] =	wrdreg $0xFFFFFFFF  }
0xa7: {  	s28 =	simm.s32 $_size_execute0_lowered;
	s3 =	sadd.s32 s3, s5;
	[dreg:$0x0] =	wrdreg $0x0  }
0xa8: {  	s5 =	sshll.u32 s28, $0x1;
	[dreg:$0x2] =	wrdreg s3  }
0xa9: {  	[dreg:$0x3] =	wrdreg s5  }
0xaa: {  	[dreg:$0x4] =	wrdreg $0xC0  }
0xab: {  	_ =	task [dreg:s7], $0x5FFFF  }
0xac: {  	[dreg:$0x1] =	wrdreg $0xFFFFFFFF  }
0xad: {  	[dreg:$0x0] =	wrdreg $0x60  }
0xae: {  	[dreg:$0x2] =	wrdreg s24  }
0xaf: {  	[dreg:$0x3] =	wrdreg s2  }
0xb0: {  	[dreg:$0x4] =	wrdreg $0x9  }
0xb1: {  	_ =	task.clear_ibuf [dreg:s7], $0x5FFFF;
	_ =	strace $0x90000046  }
0xb2: {  	s29 =	simm.s32 $0x9;
	_ =	strace $0x80000048  }
0xb3: {  	_ =	swait.ge [sflag:s29], $0x1  }
0xb4: {  	[sflag:s29] =	ssyncadd.s32 $0xFFFFFFFF  }
0xb5: {  	_ =	strace $0x90000048  }
0xb6: {  	_ =	sfence  }
0xb7: {  	s30 =	sld [smem:$0x0];
	_ =	sdelay $0x2  }
0xb8: {  	s31 =	sshll.u32 s1, $0xD;
	s1 =	sshrl.u32 s1, $0x2  }
0xb9: {  	s3 =	sand.u32 $0x4000, s31;
	s1 =	sadd.s32 s1, s30  }
0xba: {  	s0 =	sor.u32 s3, s0;
	s1 =	sshll.u32 s1, $0x11  }
0xbb: {  	s0 =	sor.u32 s1, s0  }
0xbc: {  	s0 =	sadd.s32 $0x8F2B, s0  }
0xbd: {  	[sflag:s0] =	ssyncadd.remote.s32 $0x1  }
0xbe: {  	_ =	sfence.sel $0xFFFF  }
0xbf: {  	[dreg:$0x0] =	wrdreg $0xFFFFFFFF;
	(pc) =	sbr.abs _section_cstart, $3  }
0xc0: {  	[dreg:$0x1] =	wrdreg $0xFFFFFFFF  }
0xc1: {  	_ =	task.clear_ibuf [dreg:s7], $0x2FFFF;
	_ =	strace $0x9FFFFFFF  }
0xc2: {  	(tm) =	ssettm $0x7FFFFFFF  }
0xc3: {  	_ =	shalt  }
tec
execute0_lowered:
.L_overlay_start_1:
0x0: {  	(tag) =	ssettag $0x1  }
0x1: {  	s0 =	rddreg [dreg:$0x0];
	s3 =	srdreg.scid  }
0x2: {  	s2 =	rddreg [dreg:$0x1];
	s4 =	sand.u32 $0x1, s3;
	s3 =	simm.s32 $0x0  }
0x3: {  	s1 =	stileid.u32;
	s11 =	simm.s32 $0x880;
	[smem:$0x7FF] =	sst s3  }
0x4: {  	s12 =	simm.s32 $0x1080;
	_ =	strace $0x80000047;
	[dreg:$0x8] =	wrdreg s11  }
0x5: {  	s13 =	simm.s32 $0x1880;
	s14 =	simm.s32 $0x2080;
	[dreg:$0x9] =	wrdreg s12  }
0x6: {  	s15 =	simm.s32 $0x2880;
	s16 =	simm.s32 $0x3080;
	[dreg:$0xa] =	wrdreg s13  }
0x7: {  	s17 =	simm.s32 $0x3880;
	s18 =	simm.s32 $0x4880;
	[dreg:$0xb] =	wrdreg s14  }
0x8: {  	s20 =	simm.s32 $0x5080;
	s21 =	simm.s32 $0x5880;
	[dreg:$0xc] =	wrdreg s15  }
0x9: {  	s22 =	simm.s32 $0x6080;
	s23 =	simm.s32 $0x6880;
	[dreg:$0xd] =	wrdreg s16  }
0xa: {  	s24 =	simm.s32 $0x7080;
	s25 =	simm.s32 $0x7880;
	[dreg:$0xe] =	wrdreg s17  }
0xb: {  	s28 =	simm.s32 $0x4;
	s29 =	simm.s32 $0x5;
	[dreg:$0xf] =	wrdreg s18  }
0xc: {  	s30 =	simm.s32 $0x6;
	s31 =	simm.s32 $0x7;
	[dreg:$0x10] =	wrdreg s20  }
0xd: {  	s5 =	sshll.u32 s1, $0x4;
	s7 =	sshll.u32 s1, $0xD;
	[dreg:$0x11] =	wrdreg s21  }
0xe: {  	s6 =	sshll.u32 s4, $0x9;
	s26 =	sshll.u32 s4, $0x11;
	[dreg:$0x12] =	wrdreg s22  }
0xf: {  	s4 =	ssub.s32 $0x2, s4;
	s5 =	sor.u32 s5, s6;
	[dreg:$0x13] =	wrdreg s23  }
0x10: {  	s6 =	sor.u32 s7, s26;
	s19 =	sshrl.u32 s4, $0x1;
	[dreg:$0x14] =	wrdreg s24  }
0x11: {  	s7 =	simm.s32 $0x80;
	[dreg:$0x15] =	wrdreg s25;
	s26 =	simm.s32 $0x8880  }
0x12: {  	s11 =	simm.s32 $0x9880;
	s12 =	simm.s32 $0xA080;
	s13 =	simm.s32 $0xA880  }
0x13: {  	s14 =	simm.s32 $0xB080;
	s15 =	simm.s32 $0xB880;
	s16 =	simm.s32 $0xC080  }
0x14: {  	s17 =	simm.s32 $0xC880;
	s18 =	simm.s32 $0xD080;
	s20 =	simm.s32 $0xE080  }
0x15: {  	s21 =	simm.s32 $0xE880;
	s22 =	simm.s32 $0xF080;
	s5 =	sadd.s32 s5, s0  }
0x16: {  	s0 =	sadd.s32 s6, s0;
	[dreg:$0x16] =	wrdreg s26;
	s5 =	sadd.s32 $0xC00, s5  }
0x17: {  	s23 =	simm.s32 $0xF880;
	s8 =	sadd.s32 $0x1000, s0;
	[dreg:$0x3] =	wrdreg s5  }
0x18: {  	s24 =	simm.s32 $0x1;
	s9 =	sadd.s32 $0x1800, s0;
	[dreg:$0x4] =	wrdreg s8  }
0x19: {  	s25 =	simm.s32 $0x2;
	s10 =	sadd.s32 $0x2000, s0;
	[dreg:$0x5] =	wrdreg s9  }
0x1a: {  	s6 =	simm.s32 $0x9;
	s0 =	sadd.s32 $0x2800, s0;
	[dreg:$0x6] =	wrdreg s10  }
0x1b: {  	v2 =	vlaneseq.u32;
	s26 =	simm.s32 $0x3;
	[dreg:$0x7] =	wrdreg s0;
	s5 =	ssub.s32 s4, s19  }
0x1c: {  	vm0 =	vmmov $0xffff;
	v1 =	vshrl.u32 v2, $0x3;
	s4 =	sadd.s32 $0x100, s2;
	s8 =	simm.s32 $0x4080;
	s9 =	simm.s32 $0x8080  }
0x1d: {  	v0 =	vand.u32 $0x7, v2;
	v2 =	vor.u32 $0x8, v2;
	v1 =	vmul.u32 $0x8, v1;
	s19 =	simm.s32 $0xD880;
	s0 =	simm.s32 $0x8;
	s5 =	smax.u32 s5, $0x1  }
.LBB2_1:
0x1e: {  	s1 =	rddreg [dreg:$0x3]  }
0x1f: {  	[tilespmem:s3], [sflag:$0x9] =	stream.linear.gather [hbm4b:s1+s3], $0x80, $0x38;
	[tilespmem:$0x10080] =	vst v63  }
0x20: {  	_ =	swait.ge [sflag:s6], $0x80  }
0x21: {  	[sflag:s6] =	ssyncset.done $0x0  }
0x22: {  	[sflag:s6] =	ssyncadd.s32 $0xFFFFFF80  }
0x23: {  	v3 =	vld [tilespmem:$0x0];
	_ =	sdelay $0x4  }
0x24: {  	v4 =	vshll.u32 v3, $0x2  }
0x25: {  	v3 =	vand.u32 $0x7, v3;
	v4 =	vand.u32 $0xFFFFFFE0, v4  }
0x26: {  	v3 =	vor.u32 v3, v4  }
0x27: {  	v4 =	vperm.xlane v3, v0;
	_ =	sdelay $0x1  }
0x28: {  	v4 =	vadd.s32 v1, v4;
	_ =	sdelay $0x1  }
0x29: {  	v3 =	vperm.xlane v3, v2;
	_ =	sdelay $0x1  }
0x2a: {  	v3 =	vadd.s32 v1, v3  }
0x2b: {  	[tilespmem:s7], [sflag:$0x1] =	stream.indirect_vreg.gather [hbm4b:s2+s3], $0x80, v4, vm0, $0xb8;
	[tilespmem:$0x10080] =	vst v63  }
0x2c: {  	s1 =	rddreg [dreg:$0x8]  }
0x2d: {  	[tilespmem:s1], [sflag:$0x1] =	stream.indirect_vreg.gather [hbm4b:s4+s3], $0x80, v4, vm0, $0xb8;
	[tilespmem:$0x10080] =	vst v63  }
0x2e: {  	s10 =	rddreg [dreg:$0x9]  }
0x2f: {  	[tilespmem:s10], [sflag:$0x1] =	stream.indirect_vreg.gather [hbm4b:s2+s3], $0x80, v3, vm0, $0xb8;
	[tilespmem:$0x10080] =	vst v63  }
0x30: {  	s1 =	rddreg [dreg:$0xa]  }
0x31: {  	[tilespmem:s1], [sflag:$0x1] =	stream.indirect_vreg.gather [hbm4b:s4+s3], $0x80, v3, vm0, $0xb8;
	[tilespmem:$0x10080] =	vst v63  }
0x32: {  	v3 =	vld [tilespmem:$0x10];
	_ =	sdelay $0x4  }
0x33: {  	v57 =	vshll.u32 v3, $0x2  }
0x34: {  	v3 =	vand.u32 $0x7, v3;
	v4 =	vand.u32 $0xFFFFFFE0, v57  }
0x35: {  	v3 =	vor.u32 v3, v4  }
0x36: {  	v4 =	vperm.xlane v3, v0;
	_ =	sdelay $0x1  }
0x37: {  	v4 =	vadd.s32 v1, v4;
	_ =	sdelay $0x1  }
0x38: {  	v3 =	vperm.xlane v3, v2;
	_ =	sdelay $0x1  }
0x39: {  	s1 =	rddreg [dreg:$0xb];
	v3 =	vadd.s32 v1, v3  }
0x3a: {  	[tilespmem:s1], [sflag:$0x1] =	stream.indirect_vreg.gather [hbm4b:s2+s3], $0x80, v4, vm0, $0xb8;
	[tilespmem:$0x10080] =	vst v63  }
0x3b: {  	s10 =	rddreg [dreg:$0xc]  }
0x3c: {  	[tilespmem:s10], [sflag:$0x1] =	stream.indirect_vreg.gather [hbm4b:s4+s3], $0x80, v4, vm0, $0xb8;
	[tilespmem:$0x10080] =	vst v63  }
0x3d: {  	s1 =	rddreg [dreg:$0xd]  }
0x3e: {  	[tilespmem:s1], [sflag:$0x1] =	stream.indirect_vreg.gather [hbm4b:s2+s3], $0x80, v3, vm0, $0xb8;
	[tilespmem:$0x10080] =	vst v63  }
0x3f: {  	s10 =	rddreg [dreg:$0xe]  }
0x40: {  	[tilespmem:s10], [sflag:$0x1] =	stream.indirect_vreg.gather [hbm4b:s4+s3], $0x80, v3, vm0, $0xb8;
	[tilespmem:$0x10080] =	vst v63  }
0x41: {  	v3 =	vld [tilespmem:$0x20];
	_ =	sdelay $0x4  }
0x42: {  	v58 =	vshll.u32 v3, $0x2  }
0x43: {  	v3 =	vand.u32 $0x7, v3;
	v4 =	vand.u32 $0xFFFFFFE0, v58  }
0x44: {  	v3 =	vor.u32 v3, v4  }
0x45: {  	v4 =	vperm.xlane v3, v0;
	_ =	sdelay $0x1  }
0x46: {  	v4 =	vadd.s32 v1, v4;
	_ =	sdelay $0x1  }
0x47: {  	v3 =	vperm.xlane v3, v2;
	_ =	sdelay $0x1  }
0x48: {  	v3 =	vadd.s32 v1, v3  }
0x49: {  	[tilespmem:s8], [sflag:$0x2] =	stream.indirect_vreg.gather [hbm4b:s2+s3], $0x80, v4, vm0, $0xb8;
	[tilespmem:$0x10080] =	vst v63  }
0x4a: {  	s1 =	rddreg [dreg:$0xf]  }
0x4b: {  	[tilespmem:s1], [sflag:$0x2] =	stream.indirect_vreg.gather [hbm4b:s4+s3], $0x80, v4, vm0, $0xb8;
	[tilespmem:$0x10080] =	vst v63  }
0x4c: {  	s10 =	rddreg [dreg:$0x10]  }
0x4d: {  	[tilespmem:s10], [sflag:$0x2] =	stream.indirect_vreg.gather [hbm4b:s2+s3], $0x80, v3, vm0, $0xb8;
	[tilespmem:$0x10080] =	vst v63  }
0x4e: {  	s1 =	rddreg [dreg:$0x11]  }
0x4f: {  	[tilespmem:s1], [sflag:$0x2] =	stream.indirect_vreg.gather [hbm4b:s4+s3], $0x80, v3, vm0, $0xb8;
	[tilespmem:$0x10080] =	vst v63  }
0x50: {  	v3 =	vld [tilespmem:$0x30];
	_ =	sdelay $0x4  }
0x51: {  	v59 =	vshll.u32 v3, $0x2  }
0x52: {  	v3 =	vand.u32 $0x7, v3;
	v4 =	vand.u32 $0xFFFFFFE0, v59  }
0x53: {  	v3 =	vor.u32 v3, v4  }
0x54: {  	v4 =	vperm.xlane v3, v0;
	_ =	sdelay $0x1  }
0x55: {  	v4 =	vadd.s32 v1, v4;
	_ =	sdelay $0x1  }
0x56: {  	v3 =	vperm.xlane v3, v2;
	_ =	sdelay $0x1  }
0x57: {  	s1 =	rddreg [dreg:$0x12];
	v3 =	vadd.s32 v1, v3  }
0x58: {  	[tilespmem:s1], [sflag:$0x2] =	stream.indirect_vreg.gather [hbm4b:s2+s3], $0x80, v4, vm0, $0xb8;
	[tilespmem:$0x10080] =	vst v63  }
0x59: {  	s10 =	rddreg [dreg:$0x13]  }
0x5a: {  	[tilespmem:s10], [sflag:$0x2] =	stream.indirect_vreg.gather [hbm4b:s4+s3], $0x80, v4, vm0, $0xb8;
	[tilespmem:$0x10080] =	vst v63  }
0x5b: {  	s1 =	rddreg [dreg:$0x14]  }
0x5c: {  	[tilespmem:s1], [sflag:$0x2] =	stream.indirect_vreg.gather [hbm4b:s2+s3], $0x80, v3, vm0, $0xb8;
	[tilespmem:$0x10080] =	vst v63  }
0x5d: {  	s10 =	rddreg [dreg:$0x15]  }
0x5e: {  	[tilespmem:s10], [sflag:$0x2] =	stream.indirect_vreg.gather [hbm4b:s4+s3], $0x80, v3, vm0, $0xb8;
	[tilespmem:$0x10080] =	vst v63  }
0x5f: {  	v3 =	vld [tilespmem:$0x40];
	_ =	sdelay $0x4  }
0x60: {  	v60 =	vshll.u32 v3, $0x2  }
0x61: {  	v3 =	vand.u32 $0x7, v3;
	v4 =	vand.u32 $0xFFFFFFE0, v60  }
0x62: {  	v3 =	vor.u32 v3, v4  }
0x63: {  	v4 =	vperm.xlane v3, v0;
	_ =	sdelay $0x1  }
0x64: {  	v4 =	vadd.s32 v1, v4;
	_ =	sdelay $0x1  }
0x65: {  	v3 =	vperm.xlane v3, v2;
	_ =	sdelay $0x1  }
0x66: {  	v3 =	vadd.s32 v1, v3  }
0x67: {  	[tilespmem:s9], [sflag:$0x3] =	stream.indirect_vreg.gather [hbm4b:s2+s3], $0x80, v4, vm0, $0xb8;
	[tilespmem:$0x10080] =	vst v63  }
0x68: {  	s10 =	rddreg [dreg:$0x16]  }
0x69: {  	[tilespmem:s10], [sflag:$0x3] =	stream.indirect_vreg.gather [hbm4b:s4+s3], $0x80, v4, vm0, $0xb8;
	[tilespmem:$0x10080] =	vst v63  }
0x6a: {  	s10 =	simm.s32 $0x9080  }
0x6b: {  	[tilespmem:s10], [sflag:$0x3] =	stream.indirect_vreg.gather [hbm4b:s2+s3], $0x80, v3, vm0, $0xb8;
	[tilespmem:$0x10080] =	vst v63  }
0x6c: {  	_ = 	snop  }
0x6d: {  	[tilespmem:s11], [sflag:$0x3] =	stream.indirect_vreg.gather [hbm4b:s4+s3], $0x80, v3, vm0, $0xb8;
	[tilespmem:$0x10080] =	vst v63  }
0x6e: {  	v3 =	vld [tilespmem:$0x50];
	_ =	sdelay $0x4  }
0x6f: {  	v61 =	vshll.u32 v3, $0x2  }
0x70: {  	v3 =	vand.u32 $0x7, v3;
	v4 =	vand.u32 $0xFFFFFFE0, v61  }
0x71: {  	v3 =	vor.u32 v3, v4  }
0x72: {  	v4 =	vperm.xlane v3, v0;
	_ =	sdelay $0x1  }
0x73: {  	v4 =	vadd.s32 v1, v4;
	_ =	sdelay $0x1  }
0x74: {  	v3 =	vperm.xlane v3, v2;
	_ =	sdelay $0x1  }
0x75: {  	v3 =	vadd.s32 v1, v3  }
0x76: {  	[tilespmem:s12], [sflag:$0x3] =	stream.indirect_vreg.gather [hbm4b:s2+s3], $0x80, v4, vm0, $0xb8;
	[tilespmem:$0x10080] =	vst v63  }
0x77: {  	_ = 	snop  }
0x78: {  	[tilespmem:s13], [sflag:$0x3] =	stream.indirect_vreg.gather [hbm4b:s4+s3], $0x80, v4, vm0, $0xb8;
	[tilespmem:$0x10080] =	vst v63  }
0x79: {  	_ = 	snop  }
0x7a: {  	[tilespmem:s14], [sflag:$0x3] =	stream.indirect_vreg.gather [hbm4b:s2+s3], $0x80, v3, vm0, $0xb8;
	[tilespmem:$0x10080] =	vst v63  }
0x7b: {  	_ = 	snop  }
0x7c: {  	[tilespmem:s15], [sflag:$0x3] =	stream.indirect_vreg.gather [hbm4b:s4+s3], $0x80, v3, vm0, $0xb8;
	[tilespmem:$0x10080] =	vst v63  }
0x7d: {  	v3 =	vld [tilespmem:$0x60];
	_ =	sdelay $0x4  }
0x7e: {  	v62 =	vshll.u32 v3, $0x2  }
0x7f: {  	v3 =	vand.u32 $0x7, v3;
	v4 =	vand.u32 $0xFFFFFFE0, v62  }
0x80: {  	v3 =	vor.u32 v3, v4  }
0x81: {  	v4 =	vperm.xlane v3, v0;
	_ =	sdelay $0x1  }
0x82: {  	v4 =	vadd.s32 v1, v4;
	_ =	sdelay $0x1  }
0x83: {  	v3 =	vperm.xlane v3, v2;
	_ =	sdelay $0x1  }
0x84: {  	v3 =	vadd.s32 v1, v3  }
0x85: {  	[tilespmem:s16], [sflag:$0x4] =	stream.indirect_vreg.gather [hbm4b:s2+s3], $0x80, v4, vm0, $0xb8;
	[tilespmem:$0x10080] =	vst v63  }
0x86: {  	_ = 	snop  }
0x87: {  	[tilespmem:s17], [sflag:$0x4] =	stream.indirect_vreg.gather [hbm4b:s4+s3], $0x80, v4, vm0, $0xb8;
	[tilespmem:$0x10080] =	vst v63  }
0x88: {  	_ = 	snop  }
0x89: {  	[tilespmem:s18], [sflag:$0x4] =	stream.indirect_vreg.gather [hbm4b:s2+s3], $0x80, v3, vm0, $0xb8;
	[tilespmem:$0x10080] =	vst v63  }
0x8a: {  	_ = 	snop  }
0x8b: {  	[tilespmem:s19], [sflag:$0x4] =	stream.indirect_vreg.gather [hbm4b:s4+s3], $0x80, v3, vm0, $0xb8;
	[tilespmem:$0x10080] =	vst v63  }
0x8c: {  	v3 =	vld [tilespmem:$0x70];
	_ =	sdelay $0x4  }
0x8d: {  	v63 =	vshll.u32 v3, $0x2  }
0x8e: {  	v3 =	vand.u32 $0x7, v3;
	v4 =	vand.u32 $0xFFFFFFE0, v63  }
0x8f: {  	v3 =	vor.u32 v3, v4  }
0x90: {  	v4 =	vperm.xlane v3, v0;
	_ =	sdelay $0x1  }
0x91: {  	v4 =	vadd.s32 v1, v4;
	_ =	sdelay $0x1  }
0x92: {  	v3 =	vperm.xlane v3, v2;
	_ =	sdelay $0x1  }
0x93: {  	v3 =	vadd.s32 v1, v3  }
0x94: {  	[tilespmem:s20], [sflag:$0x4] =	stream.indirect_vreg.gather [hbm4b:s2+s3], $0x80, v4, vm0, $0xb8;
	[tilespmem:$0x10080] =	vst v63  }
0x95: {  	_ = 	snop  }
0x96: {  	[tilespmem:s21], [sflag:$0x4] =	stream.indirect_vreg.gather [hbm4b:s4+s3], $0x80, v4, vm0, $0xb8;
	[tilespmem:$0x10080] =	vst v63  }
0x97: {  	_ = 	snop  }
0x98: {  	[tilespmem:s22], [sflag:$0x4] =	stream.indirect_vreg.gather [hbm4b:s2+s3], $0x80, v3, vm0, $0xb8;
	[tilespmem:$0x10080] =	vst v63  }
0x99: {  	_ = 	snop  }
0x9a: {  	[tilespmem:s23], [sflag:$0x4] =	stream.indirect_vreg.gather [hbm4b:s4+s3], $0x80, v3, vm0, $0xb8;
	[tilespmem:$0x10080] =	vst v63  }
0x9b: {  	_ =	swait.ge [sflag:s24], $0x4000  }
0x9c: {  	[sflag:s24] =	ssyncset.done $0x0  }
0x9d: {  	s10 =	rddreg [dreg:$0x4];
	[sflag:s24] =	ssyncadd.s32 $0xFFFFC000  }
0x9e: {  	[hbm4b:s10+s3] =	stream.linear.scatter [tilespmem:s7], [sflag:$0x5], $0x4000, $0x38;
	[tilespmem:$0x10080] =	vst v63  }
0x9f: {  	_ =	swait.ge [sflag:s25], $0x4000  }
0xa0: {  	[sflag:s25] =	ssyncset.done $0x0  }
0xa1: {  	s10 =	rddreg [dreg:$0x5];
	[sflag:s25] =	ssyncadd.s32 $0xFFFFC000  }
0xa2: {  	[hbm4b:s10+s3] =	stream.linear.scatter [tilespmem:s8], [sflag:$0x6], $0x4000, $0x38;
	[tilespmem:$0x10080] =	vst v63  }
0xa3: {  	_ =	swait.ge [sflag:s26], $0x4000  }
0xa4: {  	[sflag:s26] =	ssyncset.done $0x0  }
0xa5: {  	s10 =	rddreg [dreg:$0x6];
	[sflag:s26] =	ssyncadd.s32 $0xFFFFC000  }
0xa6: {  	[hbm4b:s10+s3] =	stream.linear.scatter [tilespmem:s9], [sflag:$0x7], $0x4000, $0x38;
	[tilespmem:$0x10080] =	vst v63  }
0xa7: {  	_ =	swait.ge [sflag:s28], $0x4000  }
0xa8: {  	[sflag:s28] =	ssyncset.done $0x0  }
0xa9: {  	s10 =	rddreg [dreg:$0x7];
	[sflag:s28] =	ssyncadd.s32 $0xFFFFC000  }
0xaa: {  	[hbm4b:s10+s3] =	stream.linear.scatter [tilespmem:s16], [sflag:$0x8], $0x4000, $0x38;
	[tilespmem:$0x10080] =	vst v63  }
0xab: {  	_ =	swait.ge [sflag:s29], $0x4000  }
0xac: {  	[sflag:s29] =	ssyncset.done $0x0  }
0xad: {  	[sflag:s29] =	ssyncadd.s32 $0xFFFFC000  }
0xae: {  	_ =	swait.ge [sflag:s30], $0x4000  }
0xaf: {  	[sflag:s30] =	ssyncset.done $0x0  }
0xb0: {  	[sflag:s30] =	ssyncadd.s32 $0xFFFFC000  }
0xb1: {  	p0 =	sne.s32 s5, $0x1;
	_ =	swait.ge [sflag:s31], $0x4000  }
.Ltmp0:
0xb2: {  	[sflag:s31] =	ssyncset.done $0x0;
	(pc) =	sbr.rel @p0 .LBB2_1-.Ltmp0, $4  }
0xb3: {  	[sflag:s31] =	ssyncadd.s32 $0xFFFFC000  }
0xb4: {  	_ =	swait.ge [sflag:s0], $0x4000  }
0xb5: {  	[sflag:s0] =	ssyncset.done $0x0  }
0xb6: {  	s5 =	sadd.s32 $0xFFFFFFFF, s5;
	[sflag:s0] =	ssyncadd.s32 $0xFFFFC000  }
0xb7: {  	_ =	sfence.sel $0x180000  }
0xb8: {  	[bflag:$0x0] =	sbarrier.arrive $0xFFFF  }
0xb9: {  	_ =	strace $0x90000047  }
0xba: {  	s0 =	stileid.u32;
	[bflag:$0x2] =	sbarrier.arrive $0xFFFF  }
0xbb: {  	p0 =	sne.s32 s0, $0x0;
	s0 =	rddreg [dreg:$0x2]  }
0xbc: {  	s0 =	sadd.s32 @!p0 $0x100000, s0  }
0xbd: {  	[sflag:s0] =	ssyncadd.tile.s32 @!p0 $0x1;
	_ =	shalt  }
.Lfunc_end2:
_tile_overlayer_lowered:
.L_overlay_start_2:
0xbe: {  	(tag) =	ssettag $0x2  }
0xbf: {  	s0 =	rddreg [dreg:$0x0];
	s2 =	stileid.u32  }
0xc0: {  	s1 =	rddreg [dreg:$0x1];
	p0 =	sne.s32 s2, $0x0  }
0xc1: {  	s3 =	rddreg [dreg:$0x2];
	[bflag:$0x3] =	sbarrier.arrive $0xFFFF;
	s2 =	simm.s32 @!p0 $0x1C09  }
0xc2: {  	[timem:s3], [sflag:s2] =	dma.local @!p0 [hbm:s0], s1  }
0xc3: {  	s0 =	simm.s32 @!p0 $0x9  }
0xc4: {  	_ =	swait.ge @!p0 [sflag:s0], s1  }
0xc5: {  	s1 =	ssub.s32 @!p0 $0x0, s1;
	[sflag:s0] =	ssyncset.done @!p0 $0x0  }
0xc6: {  	[sflag:s0] =	ssyncadd.s32 @!p0 s1  }
0xc7: {  	[bflag:$0x3] =	sbarrier.arrive $0xFFFF  }
0xc8: {  	_ =	shalt  }

// kernel: kernel.9.cloned.1.call-start
scs
__scs_entry_jumppad:
0x0: {  	(pc) =	sbr.rel $0x88, $3  }
0x1: {  	(tag) =	ssettag $0x0;
	lr =	simm.s32 $0x1  }
0x2: {  	[smem:$0x3F9F] =	sst lr;
	_ =	strace $0xD0000000  }
0x3: {  	_ = 	snop  }
0x4: {  	_ = 	snop  }
0x5: {  	_ = 	snop  }
0x6: {  	_ = 	snop  }
0x7: {  	_ = 	snop  }
__scs_overlays_trampoline_lowered:
0x8: {  	[smem:$0x3FAE] =	sst s0  }
0x9: {  	[smem:$0x3FAF] =	sst s1  }
0xa: {  	[smem:$0x3FB0] =	sst s2  }
0xb: {  	[smem:$0x3FB1] =	sst s3  }
0xc: {  	[smem:$0x3FB2] =	sst s4  }
0xd: {  	[smem:$0x3FB3] =	sst s5  }
0xe: {  	[smem:$0x3FB4] =	sst s6  }
0xf: {  	[smem:$0x3FB5] =	sst s7  }
0x10: {  	[smem:$0x3FB6] =	sst s8  }
0x11: {  	[smem:$0x3FB7] =	sst s9;
	s0 =	simm.s32 @!p0 $0x0  }
0x12: {  	s1 =	sld [smem:$0x3F9D];
	s0 =	simm.s32 @p0 $0x1  }
0x13: {  	[smem:$0x3FB8] =	sst s0;
	s0 =	simm.s32 @!p1 $0x0  }
0x14: {  	s2 =	sld [smem:$0x3F9C];
	s0 =	simm.s32 @p1 $0x1  }
0x15: {  	[smem:$0x3FB9] =	sst s0;
	s0 =	simm.s32 @!p2 $0x0  }
0x16: {  	s3 =	sld [smem:$0x3FDB];
	s0 =	simm.s32 @p2 $0x1  }
0x17: {  	s4 =	simm.s32 $0x1BF5;
	[smem:$0x3FBB] =	sst s0  }
0x18: {  	s0 =	sld [smem:$0x3F9E];
	_ =	swait.ge [sflag:s4], $0x0  }
0x19: {  	s7 =	sld [smem:$0x3F9F]  }
0x1a: {  	s8 =	sadd.s32 $0xFFFFE003, lr  }
0x1b: {  	s9 =	sadd.s32 $0xFFFFFEF7, lr;
	s5 =	simm.s32 $0xFFFFFFFF;
	p2 =	slt.u32 s8, $0xFFFFF086  }
0x1c: {  	p1 =	slt.u32 s9, $0xF7A;
	s5 =	simm.s32 @!p2 $0x0  }
0x1d: {  	s5 =	simm.s32 @p1 $0x1;
	p0 =	seq.s32 s7, s2  }
0x1e: {  	s7 =	smul.u32 @!p0 $0xF7A, s2;
	p2 =	seq.s32 @!p0 s5, $0x0  }
0x1f: {  	s9 =	smul.u32 $0xF7A, s1;
	s8 =	simm.s32 @!p0 $0x1BF5;
	p2 =	por !p2, p0  }
0x20: {  	[sflag:s8] =	ssyncset.s32 @!p0 $0xFFFFF086;
	s6 =	sadd.s32 @!p0 s3, s7;
	s7 =	simm.s32 @!p0 $0x108  }
0x21: {  	s3 =	sadd.s32 s3, s9;
	s6 =	sadd.s32 @!p0 $0x88, s6;
	s7 =	simm.s32 @p2 $0x1082  }
0x22: {  	[simem:s7], [sflag:s8] =	dma.local @!p0 [hbm:s6], $0xF7A  }
0x23: {  	s9 =	sor.u32 $0xD0000000, s2;
	s6 =	simm.s32 $0x108;
	_ =	swait.ge @!p0 [sflag:s8], $0x0  }
0x24: {  	s3 =	sadd.s32 $0x88, s3;
	s6 =	simm.s32 @!p1 $0x1082;
	[sflag:s4] =	ssyncset.s32 $0xFFFFF086  }
0x25: {  	[simem:s6], [sflag:s4] =	dma.local [hbm:s3], $0xF7A  }
0x26: {  	[smem:$0x3F9F] =	sst s1;
	(tag) =	ssettag s2;
	_ =	strace s9  }
0x27: {  	s1 =	sld [smem:$0x3FAF]  }
0x28: {  	s2 =	sld [smem:$0x3FB0]  }
0x29: {  	s4 =	sld [smem:$0x3FB2]  }
0x2a: {  	p0 =	seq.s32 s5, $0x0;
	s5 =	sld [smem:$0x3FB3]  }
0x2b: {  	s6 =	sld [smem:$0x3FB4]  }
0x2c: {  	s7 =	sld [smem:$0x3FB5]  }
0x2d: {  	s3 =	simm.s32 $0x108;
	s8 =	sld [smem:$0x3FB6]  }
0x2e: {  	s3 =	simm.s32 @!p0 $0x1082;
	s9 =	sld [smem:$0x3FB7]  }
0x2f: {  	lr =	sadd.s32 s0, s3;
	s0 =	sld [smem:$0x3FAE]  }
0x30: {  	s3 =	sld [smem:$0x3FB1]  }
0x31: {  	[smem:$0x3FBA] =	sst s10  }
0x32: {  	s10 =	sld [smem:$0x3FB8];
	_ =	sdelay $0x3  }
0x33: {  	p0 =	seq.s32 s10, $0x1;
	s10 =	sld [smem:$0x3FBA];
	_ =	sdelay $0x3  }
0x34: {  	[smem:$0x3FBA] =	sst s10  }
0x35: {  	s10 =	sld [smem:$0x3FB9];
	_ =	sdelay $0x3  }
0x36: {  	p1 =	seq.s32 s10, $0x1;
	s10 =	sld [smem:$0x3FBA];
	_ =	sdelay $0x3  }
0x37: {  	[smem:$0x3FBA] =	sst s10  }
0x38: {  	s10 =	sld [smem:$0x3FBB]  }
0x39: {  	_ = 	snop;
	(pc) =	sbr.ind lr, $3  }
0x3a: {  	_ = 	snop  }
0x3b: {  	_ = 	snop  }
0x3c: {  	p2 =	seq.s32 s10, $0x1;
	s10 =	sld [smem:$0x3FBA]  }
0x3d: {  	_ =	shalt  }
0x3e: {  	_ =	shalt  }
0x3f: {  	_ =	shalt  }
0x40: {  	_ =	shalt  }
0x41: {  	_ =	shalt  }
0x42: {  	_ =	shalt  }
0x43: {  	_ =	shalt  }
0x44: {  	_ =	shalt  }
0x45: {  	_ =	shalt  }
0x46: {  	_ =	shalt  }
0x47: {  	_ =	shalt  }
0x48: {  	_ =	shalt  }
0x49: {  	_ =	shalt  }
0x4a: {  	_ =	shalt  }
0x4b: {  	_ =	shalt  }
0x4c: {  	_ =	shalt  }
0x4d: {  	_ =	shalt  }
0x4e: {  	_ =	shalt  }
0x4f: {  	_ =	shalt  }
0x50: {  	_ =	shalt  }
0x51: {  	_ =	shalt  }
0x52: {  	_ =	shalt  }
0x53: {  	_ =	shalt  }
0x54: {  	_ =	shalt  }
0x55: {  	_ =	shalt  }
0x56: {  	_ =	shalt  }
0x57: {  	_ =	shalt  }
0x58: {  	_ =	shalt  }
0x59: {  	_ =	shalt  }
0x5a: {  	_ =	shalt  }
0x5b: {  	_ =	shalt  }
0x5c: {  	_ =	shalt  }
0x5d: {  	_ =	shalt  }
0x5e: {  	_ =	shalt  }
0x5f: {  	_ =	shalt  }
0x60: {  	_ =	shalt  }
0x61: {  	_ =	shalt  }
0x62: {  	_ =	shalt  }
0x63: {  	_ =	shalt  }
0x64: {  	_ =	shalt  }
0x65: {  	_ =	shalt  }
0x66: {  	_ =	shalt  }
0x67: {  	_ =	shalt  }
0x68: {  	_ =	shalt  }
0x69: {  	_ =	shalt  }
0x6a: {  	_ =	shalt  }
0x6b: {  	_ =	shalt  }
0x6c: {  	_ =	shalt  }
0x6d: {  	_ =	shalt  }
0x6e: {  	_ =	shalt  }
0x6f: {  	_ =	shalt  }
0x70: {  	_ =	shalt  }
0x71: {  	_ =	shalt  }
0x72: {  	_ =	shalt  }
0x73: {  	_ =	shalt  }
0x74: {  	_ =	shalt  }
0x75: {  	_ =	shalt  }
0x76: {  	_ =	shalt  }
0x77: {  	_ =	shalt  }
0x78: {  	_ =	shalt  }
0x79: {  	_ =	shalt  }
0x7a: {  	_ =	shalt  }
0x7b: {  	_ =	shalt  }
0x7c: {  	_ =	shalt  }
0x7d: {  	_ =	shalt  }
0x7e: {  	_ =	shalt  }
0x7f: {  	_ =	shalt  }
0x80: {  	_ =	shalt  }
0x81: {  	_ =	shalt  }
0x82: {  	_ =	shalt  }
0x83: {  	_ =	shalt  }
0x84: {  	_ =	shalt  }
0x85: {  	_ =	shalt  }
0x86: {  	_ =	shalt  }
0x87: {  	_ =	shalt  }
.Lfunc_end0:
.L_simem_size_0:
called_computation.1_lowered:
.L_overlay_start_0:
0x88: {  	s2 =	sld [smem:$0x3FD9]  }
0x89: {  	s3 =	sld [smem:$0x3FFE];
	_ =	sdelay $0x1  }
0x8a: {  	s1 =	srdreg.scid  }
0x8b: {  	s0 =	sand.u32 $0x1, s1  }
0x8c: {  	s17 =	sshll.u32 s0, $0xA;
	s2 =	sadd.s32 s3, s2  }
0x8d: {  	s2 =	sadd.s32 s2, s17  }
0x8e: {  	[smem:$0x3FC6] =	sst s2  }
0x8f: {  	_ = 	snop  }
0x90: {  	s18 =	sld [smem:$0x3FC8];
	(tm) =	ssettm $0x1  }
0x91: {  	s19 =	sld [smem:$0x3FFB];
	_ =	sdelay $0x3  }
0x92: {  	_ =	strace s19  }
0x93: {  	s2 =	sld [smem:$0x3FFC];
	_ =	sdelay $0x3  }
0x94: {  	_ =	strace s2  }
0x95: {  	s2 =	sld [smem:$0x3FFD];
	_ =	sdelay $0x3  }
0x96: {  	_ =	strace s2  }
0x97: {  	_ =	strace $0x8FFFFFFF  }
0x98: {  	s20 =	sld [smem:$0x3FDB];
	_ =	sdelay $0x1  }
0x99: {  	s4 =	simm.s32 $_scs_section_size  }
0x9a: {  	s5 =	simm.s32 $_size__tile_overlayer_lowered;
	s6 =	simm.s32 $_tile_overlayer_lowered  }
0x9b: {  	s7 =	simm.s32 $0x1BFF;
	s21 =	sshll.u32 s6, $0x1;
	s4 =	sadd.s32 s4, s20  }
0x9c: {  	s22 =	simm.s32 $0x0;
	s5 =	sshll.u32 s5, $0x1;
	s6 =	sadd.s32 s21, s4  }
0x9d: {  	[timem:s22], [sflag:s7] =	dma.local [hbm:s6], s5  }
0x9e: {  	_ =	swait.ge [sflag:s7], s5  }
0x9f: {  	s5 =	ssub.s32 $0x0, s5;
	[sflag:s7] =	ssyncset.done $0x0  }
0xa0: {  	[sflag:s7] =	ssyncadd.s32 s5;
	_ =	sdelay $0x1  }
0xa1: {  	s23 =	simm.s32 $0x1B8B  }
0xa2: {  	_ =	swait.ge [sflag:s23], $0x1  }
0xa3: {  	[sflag:s23] =	ssyncset.done $0x0  }
0xa4: {  	[sflag:s23] =	ssyncadd.s32 $0xFFFFFFFF  }
0xa5: {  	s5 =	sld [smem:$0x0]  }
0xa6: {  	s6 =	sand.u32 $0xFFFFFFFE, s1  }
0xa7: {  	p0 =	sne.s32 s1, s6  }
0xa8: {  	s6 =	sshll.u32 @p0 s6, $0xE  }
0xa9: {  	s6 =	sadd.s32 @p0 $0x11B8D, s6;
	s7 =	sshll.u32 @p0 s5, $0x11  }
0xaa: {  	s6 =	sor.u32 @p0 s7, s6  }
0xab: {  	[sflag:s6] =	ssyncadd.remote.s32 @p0 $0x1;
	_ =	sdelay $0x1  }
0xac: {  	s6 =	simm.s32 @p0 $0x1B8D  }
0xad: {  	_ =	swait.eq @p0 [sflag:s6], $0x1  }
0xae: {  	[sflag:s6] =	ssyncadd.s32 @p0 $0xFFFFFFFF  }
0xaf: {  	s7 =	sshll.u32 @!p0 s1, $0xE  }
0xb0: {  	s7 =	sor.u32 @!p0 $0x4000, s7;
	s6 =	simm.s32 @!p0 $0x1B8D  }
0xb1: {  	s5 =	sshll.u32 @!p0 s5, $0x11;
	s7 =	sadd.s32 @!p0 $0x11B8D, s7;
	_ =	swait.eq @!p0 [sflag:s6], $0x1  }
0xb2: {  	s5 =	sor.u32 @!p0 s5, s7;
	[sflag:s6] =	ssyncadd.s32 @!p0 $0xFFFFFFFF  }
0xb3: {  	s25 =	simm.s32 $0x1B8E;
	s24 =	sld [smem:$0x3FFE];
	[sflag:s5] =	ssyncadd.remote.s32 @!p0 $0x1  }
0xb4: {  	s26 =	simm.s32 $execute0_lowered;
	[smem:$0x3FD2] =	sst s25  }
0xb5: {  	s6 =	sshll.u32 s26, $0x1;
	_ =	strace $0x80000049;
	[dreg:$0x1] =	wrdreg $0xFFFFFFFF  }
0xb6: {  	s28 =	simm.s32 $_size_execute0_lowered;
	s4 =	sadd.s32 s4, s6;
	[dreg:$0x0] =	wrdreg $0x0  }
0xb7: {  	s6 =	sshll.u32 s28, $0x1;
	[dreg:$0x2] =	wrdreg s4  }
0xb8: {  	[dreg:$0x3] =	wrdreg s6  }
0xb9: {  	[dreg:$0x4] =	wrdreg $0xC0  }
0xba: {  	_ =	task [dreg:s22], $0x5FFFF  }
0xbb: {  	[dreg:$0x1] =	wrdreg $0xFFFFFFFF  }
0xbc: {  	[dreg:$0x0] =	wrdreg $0x60  }
0xbd: {  	[dreg:$0x2] =	wrdreg s24  }
0xbe: {  	[dreg:$0x3] =	wrdreg s18  }
0xbf: {  	[dreg:$0x4] =	wrdreg $0xA  }
0xc0: {  	_ =	task.clear_ibuf [dreg:s22], $0x5FFFF;
	_ =	strace $0x90000049  }
0xc1: {  	s29 =	simm.s32 $0xA;
	_ =	strace $0x8000004B  }
0xc2: {  	_ =	swait.ge [sflag:s29], $0x1  }
0xc3: {  	[sflag:s29] =	ssyncadd.s32 $0xFFFFFFFF  }
0xc4: {  	_ =	strace $0x9000004B  }
0xc5: {  	_ =	sfence  }
0xc6: {  	s30 =	sld [smem:$0x0];
	_ =	sdelay $0x2  }
0xc7: {  	s31 =	sshll.u32 s1, $0xD;
	s1 =	sshrl.u32 s1, $0x2  }
0xc8: {  	s4 =	sand.u32 $0x4000, s31;
	s1 =	sadd.s32 s1, s30  }
0xc9: {  	s0 =	sor.u32 s4, s0;
	s1 =	sshll.u32 s1, $0x11  }
0xca: {  	s0 =	sor.u32 s1, s0  }
0xcb: {  	s0 =	sadd.s32 $0x8F2B, s0  }
0xcc: {  	[sflag:s0] =	ssyncadd.remote.s32 $0x1  }
0xcd: {  	_ =	sfence.sel $0xFFFF  }
0xce: {  	[dreg:$0x0] =	wrdreg $0xFFFFFFFF;
	(pc) =	sbr.abs _section_cstart, $3  }
0xcf: {  	[dreg:$0x1] =	wrdreg $0xFFFFFFFF  }
0xd0: {  	_ =	task.clear_ibuf [dreg:s22], $0x2FFFF;
	_ =	strace $0x9FFFFFFF  }
0xd1: {  	(tm) =	ssettm $0x7FFFFFFF  }
tec
execute0_lowered:
.L_overlay_start_1:
0x0: {  	(tag) =	ssettag $0x1  }
0x1: {  	s0 =	rddreg [dreg:$0x0];
	s3 =	srdreg.scid  }
0x2: {  	s2 =	rddreg [dreg:$0x1];
	s4 =	sand.u32 $0x1, s3;
	s3 =	simm.s32 $0x0  }
0x3: {  	s1 =	stileid.u32;
	s11 =	simm.s32 $0x880;
	[smem:$0x7FF] =	sst s3  }
0x4: {  	s12 =	simm.s32 $0x1080;
	_ =	strace $0x8000004A;
	[dreg:$0x8] =	wrdreg s11  }
0x5: {  	s13 =	simm.s32 $0x1880;
	s14 =	simm.s32 $0x2080;
	[dreg:$0x9] =	wrdreg s12  }
0x6: {  	s15 =	simm.s32 $0x2880;
	s16 =	simm.s32 $0x3080;
	[dreg:$0xa] =	wrdreg s13  }
0x7: {  	s17 =	simm.s32 $0x3880;
	s18 =	simm.s32 $0x4880;
	[dreg:$0xb] =	wrdreg s14  }
0x8: {  	s20 =	simm.s32 $0x5080;
	s21 =	simm.s32 $0x5880;
	[dreg:$0xc] =	wrdreg s15  }
0x9: {  	s22 =	simm.s32 $0x6080;
	s23 =	simm.s32 $0x6880;
	[dreg:$0xd] =	wrdreg s16  }
0xa: {  	s24 =	simm.s32 $0x7080;
	s25 =	simm.s32 $0x7880;
	[dreg:$0xe] =	wrdreg s17  }
0xb: {  	s28 =	simm.s32 $0x4;
	s29 =	simm.s32 $0x5;
	[dreg:$0xf] =	wrdreg s18  }
0xc: {  	s30 =	simm.s32 $0x6;
	s31 =	simm.s32 $0x7;
	[dreg:$0x10] =	wrdreg s20  }
0xd: {  	s5 =	sshll.u32 s1, $0x4;
	s7 =	sshll.u32 s1, $0xD;
	[dreg:$0x11] =	wrdreg s21  }
0xe: {  	s6 =	sshll.u32 s4, $0x9;
	s26 =	sshll.u32 s4, $0x11;
	[dreg:$0x12] =	wrdreg s22  }
0xf: {  	s4 =	ssub.s32 $0x2, s4;
	s5 =	sor.u32 s5, s6;
	[dreg:$0x13] =	wrdreg s23  }
0x10: {  	s6 =	sor.u32 s7, s26;
	s19 =	sshrl.u32 s4, $0x1;
	[dreg:$0x14] =	wrdreg s24  }
0x11: {  	s7 =	simm.s32 $0x80;
	[dreg:$0x15] =	wrdreg s25;
	s26 =	simm.s32 $0x8880  }
0x12: {  	s11 =	simm.s32 $0x9880;
	s12 =	simm.s32 $0xA080;
	s13 =	simm.s32 $0xA880  }
0x13: {  	s14 =	simm.s32 $0xB080;
	s15 =	simm.s32 $0xB880;
	s16 =	simm.s32 $0xC080  }
0x14: {  	s17 =	simm.s32 $0xC880;
	s18 =	simm.s32 $0xD080;
	s20 =	simm.s32 $0xE080  }
0x15: {  	s21 =	simm.s32 $0xE880;
	s22 =	simm.s32 $0xF080;
	s5 =	sadd.s32 s5, s0  }
0x16: {  	s0 =	sadd.s32 s6, s0;
	[dreg:$0x16] =	wrdreg s26;
	s5 =	sadd.s32 $0xD00, s5  }
0x17: {  	s23 =	simm.s32 $0xF880;
	s8 =	sadd.s32 $0x41000, s0;
	[dreg:$0x3] =	wrdreg s5  }
0x18: {  	s24 =	simm.s32 $0x1;
	s9 =	sadd.s32 $0x41800, s0;
	[dreg:$0x4] =	wrdreg s8  }
0x19: {  	s25 =	simm.s32 $0x2;
	s10 =	sadd.s32 $0x42000, s0;
	[dreg:$0x5] =	wrdreg s9  }
0x1a: {  	s6 =	simm.s32 $0x9;
	s0 =	sadd.s32 $0x42800, s0;
	[dreg:$0x6] =	wrdreg s10  }
0x1b: {  	v2 =	vlaneseq.u32;
	s26 =	simm.s32 $0x3;
	[dreg:$0x7] =	wrdreg s0;
	s5 =	ssub.s32 s4, s19  }
0x1c: {  	vm0 =	vmmov $0xffff;
	v1 =	vshrl.u32 v2, $0x3;
	s4 =	sadd.s32 $0x100, s2;
	s8 =	simm.s32 $0x4080;
	s9 =	simm.s32 $0x8080  }
0x1d: {  	v0 =	vand.u32 $0x7, v2;
	v2 =	vor.u32 $0x8, v2;
	v1 =	vmul.u32 $0x8, v1;
	s19 =	simm.s32 $0xD880;
	s0 =	simm.s32 $0x8;
	s5 =	smax.u32 s5, $0x1  }
.LBB2_1:
0x1e: {  	s1 =	rddreg [dreg:$0x3]  }
0x1f: {  	[tilespmem:s3], [sflag:$0x9] =	stream.linear.gather [hbm4b:s1+s3], $0x80, $0x38;
	[tilespmem:$0x10080] =	vst v63  }
0x20: {  	_ =	swait.ge [sflag:s6], $0x80  }
0x21: {  	[sflag:s6] =	ssyncset.done $0x0  }
0x22: {  	[sflag:s6] =	ssyncadd.s32 $0xFFFFFF80  }
0x23: {  	v3 =	vld [tilespmem:$0x0];
	_ =	sdelay $0x4  }
0x24: {  	v4 =	vshll.u32 v3, $0x2  }
0x25: {  	v3 =	vand.u32 $0x7, v3;
	v4 =	vand.u32 $0xFFFFFFE0, v4  }
0x26: {  	v3 =	vor.u32 v3, v4  }
0x27: {  	v4 =	vperm.xlane v3, v0;
	_ =	sdelay $0x1  }
0x28: {  	v4 =	vadd.s32 v1, v4;
	_ =	sdelay $0x1  }
0x29: {  	v3 =	vperm.xlane v3, v2;
	_ =	sdelay $0x1  }
0x2a: {  	v3 =	vadd.s32 v1, v3  }
0x2b: {  	[tilespmem:s7], [sflag:$0x1] =	stream.indirect_vreg.gather [hbm4b:s2+s3], $0x80, v4, vm0, $0xb8;
	[tilespmem:$0x10080] =	vst v63  }
0x2c: {  	s1 =	rddreg [dreg:$0x8]  }
0x2d: {  	[tilespmem:s1], [sflag:$0x1] =	stream.indirect_vreg.gather [hbm4b:s4+s3], $0x80, v4, vm0, $0xb8;
	[tilespmem:$0x10080] =	vst v63  }
0x2e: {  	s10 =	rddreg [dreg:$0x9]  }
0x2f: {  	[tilespmem:s10], [sflag:$0x1] =	stream.indirect_vreg.gather [hbm4b:s2+s3], $0x80, v3, vm0, $0xb8;
	[tilespmem:$0x10080] =	vst v63  }
0x30: {  	s1 =	rddreg [dreg:$0xa]  }
0x31: {  	[tilespmem:s1], [sflag:$0x1] =	stream.indirect_vreg.gather [hbm4b:s4+s3], $0x80, v3, vm0, $0xb8;
	[tilespmem:$0x10080] =	vst v63  }
0x32: {  	v3 =	vld [tilespmem:$0x10];
	_ =	sdelay $0x4  }
0x33: {  	v57 =	vshll.u32 v3, $0x2  }
0x34: {  	v3 =	vand.u32 $0x7, v3;
	v4 =	vand.u32 $0xFFFFFFE0, v57  }
0x35: {  	v3 =	vor.u32 v3, v4  }
0x36: {  	v4 =	vperm.xlane v3, v0;
	_ =	sdelay $0x1  }
0x37: {  	v4 =	vadd.s32 v1, v4;
	_ =	sdelay $0x1  }
0x38: {  	v3 =	vperm.xlane v3, v2;
	_ =	sdelay $0x1  }
0x39: {  	s1 =	rddreg [dreg:$0xb];
	v3 =	vadd.s32 v1, v3  }
0x3a: {  	[tilespmem:s1], [sflag:$0x1] =	stream.indirect_vreg.gather [hbm4b:s2+s3], $0x80, v4, vm0, $0xb8;
	[tilespmem:$0x10080] =	vst v63  }
0x3b: {  	s10 =	rddreg [dreg:$0xc]  }
0x3c: {  	[tilespmem:s10], [sflag:$0x1] =	stream.indirect_vreg.gather [hbm4b:s4+s3], $0x80, v4, vm0, $0xb8;
	[tilespmem:$0x10080] =	vst v63  }
0x3d: {  	s1 =	rddreg [dreg:$0xd]  }
0x3e: {  	[tilespmem:s1], [sflag:$0x1] =	stream.indirect_vreg.gather [hbm4b:s2+s3], $0x80, v3, vm0, $0xb8;
	[tilespmem:$0x10080] =	vst v63  }
0x3f: {  	s10 =	rddreg [dreg:$0xe]  }
0x40: {  	[tilespmem:s10], [sflag:$0x1] =	stream.indirect_vreg.gather [hbm4b:s4+s3], $0x80, v3, vm0, $0xb8;
	[tilespmem:$0x10080] =	vst v63  }
0x41: {  	v3 =	vld [tilespmem:$0x20];
	_ =	sdelay $0x4  }
0x42: {  	v58 =	vshll.u32 v3, $0x2  }
0x43: {  	v3 =	vand.u32 $0x7, v3;
	v4 =	vand.u32 $0xFFFFFFE0, v58  }
0x44: {  	v3 =	vor.u32 v3, v4  }
0x45: {  	v4 =	vperm.xlane v3, v0;
	_ =	sdelay $0x1  }
0x46: {  	v4 =	vadd.s32 v1, v4;
	_ =	sdelay $0x1  }
0x47: {  	v3 =	vperm.xlane v3, v2;
	_ =	sdelay $0x1  }
0x48: {  	v3 =	vadd.s32 v1, v3  }
0x49: {  	[tilespmem:s8], [sflag:$0x2] =	stream.indirect_vreg.gather [hbm4b:s2+s3], $0x80, v4, vm0, $0xb8;
	[tilespmem:$0x10080] =	vst v63  }
0x4a: {  	s1 =	rddreg [dreg:$0xf]  }
0x4b: {  	[tilespmem:s1], [sflag:$0x2] =	stream.indirect_vreg.gather [hbm4b:s4+s3], $0x80, v4, vm0, $0xb8;
	[tilespmem:$0x10080] =	vst v63  }
0x4c: {  	s10 =	rddreg [dreg:$0x10]  }
0x4d: {  	[tilespmem:s10], [sflag:$0x2] =	stream.indirect_vreg.gather [hbm4b:s2+s3], $0x80, v3, vm0, $0xb8;
	[tilespmem:$0x10080] =	vst v63  }
0x4e: {  	s1 =	rddreg [dreg:$0x11]  }
0x4f: {  	[tilespmem:s1], [sflag:$0x2] =	stream.indirect_vreg.gather [hbm4b:s4+s3], $0x80, v3, vm0, $0xb8;
	[tilespmem:$0x10080] =	vst v63  }
0x50: {  	v3 =	vld [tilespmem:$0x30];
	_ =	sdelay $0x4  }
0x51: {  	v59 =	vshll.u32 v3, $0x2  }
0x52: {  	v3 =	vand.u32 $0x7, v3;
	v4 =	vand.u32 $0xFFFFFFE0, v59  }
0x53: {  	v3 =	vor.u32 v3, v4  }
0x54: {  	v4 =	vperm.xlane v3, v0;
	_ =	sdelay $0x1  }
0x55: {  	v4 =	vadd.s32 v1, v4;
	_ =	sdelay $0x1  }
0x56: {  	v3 =	vperm.xlane v3, v2;
	_ =	sdelay $0x1  }
0x57: {  	s1 =	rddreg [dreg:$0x12];
	v3 =	vadd.s32 v1, v3  }
0x58: {  	[tilespmem:s1], [sflag:$0x2] =	stream.indirect_vreg.gather [hbm4b:s2+s3], $0x80, v4, vm0, $0xb8;
	[tilespmem:$0x10080] =	vst v63  }
0x59: {  	s10 =	rddreg [dreg:$0x13]  }
0x5a: {  	[tilespmem:s10], [sflag:$0x2] =	stream.indirect_vreg.gather [hbm4b:s4+s3], $0x80, v4, vm0, $0xb8;
	[tilespmem:$0x10080] =	vst v63  }
0x5b: {  	s1 =	rddreg [dreg:$0x14]  }
0x5c: {  	[tilespmem:s1], [sflag:$0x2] =	stream.indirect_vreg.gather [hbm4b:s2+s3], $0x80, v3, vm0, $0xb8;
	[tilespmem:$0x10080] =	vst v63  }
0x5d: {  	s10 =	rddreg [dreg:$0x15]  }
0x5e: {  	[tilespmem:s10], [sflag:$0x2] =	stream.indirect_vreg.gather [hbm4b:s4+s3], $0x80, v3, vm0, $0xb8;
	[tilespmem:$0x10080] =	vst v63  }
0x5f: {  	v3 =	vld [tilespmem:$0x40];
	_ =	sdelay $0x4  }
0x60: {  	v60 =	vshll.u32 v3, $0x2  }
0x61: {  	v3 =	vand.u32 $0x7, v3;
	v4 =	vand.u32 $0xFFFFFFE0, v60  }
0x62: {  	v3 =	vor.u32 v3, v4  }
0x63: {  	v4 =	vperm.xlane v3, v0;
	_ =	sdelay $0x1  }
0x64: {  	v4 =	vadd.s32 v1, v4;
	_ =	sdelay $0x1  }
0x65: {  	v3 =	vperm.xlane v3, v2;
	_ =	sdelay $0x1  }
0x66: {  	v3 =	vadd.s32 v1, v3  }
0x67: {  	[tilespmem:s9], [sflag:$0x3] =	stream.indirect_vreg.gather [hbm4b:s2+s3], $0x80, v4, vm0, $0xb8;
	[tilespmem:$0x10080] =	vst v63  }
0x68: {  	s10 =	rddreg [dreg:$0x16]  }
0x69: {  	[tilespmem:s10], [sflag:$0x3] =	stream.indirect_vreg.gather [hbm4b:s4+s3], $0x80, v4, vm0, $0xb8;
	[tilespmem:$0x10080] =	vst v63  }
0x6a: {  	s10 =	simm.s32 $0x9080  }
0x6b: {  	[tilespmem:s10], [sflag:$0x3] =	stream.indirect_vreg.gather [hbm4b:s2+s3], $0x80, v3, vm0, $0xb8;
	[tilespmem:$0x10080] =	vst v63  }
0x6c: {  	_ = 	snop  }
0x6d: {  	[tilespmem:s11], [sflag:$0x3] =	stream.indirect_vreg.gather [hbm4b:s4+s3], $0x80, v3, vm0, $0xb8;
	[tilespmem:$0x10080] =	vst v63  }
0x6e: {  	v3 =	vld [tilespmem:$0x50];
	_ =	sdelay $0x4  }
0x6f: {  	v61 =	vshll.u32 v3, $0x2  }
0x70: {  	v3 =	vand.u32 $0x7, v3;
	v4 =	vand.u32 $0xFFFFFFE0, v61  }
0x71: {  	v3 =	vor.u32 v3, v4  }
0x72: {  	v4 =	vperm.xlane v3, v0;
	_ =	sdelay $0x1  }
0x73: {  	v4 =	vadd.s32 v1, v4;
	_ =	sdelay $0x1  }
0x74: {  	v3 =	vperm.xlane v3, v2;
	_ =	sdelay $0x1  }
0x75: {  	v3 =	vadd.s32 v1, v3  }
0x76: {  	[tilespmem:s12], [sflag:$0x3] =	stream.indirect_vreg.gather [hbm4b:s2+s3], $0x80, v4, vm0, $0xb8;
	[tilespmem:$0x10080] =	vst v63  }
0x77: {  	_ = 	snop  }
0x78: {  	[tilespmem:s13], [sflag:$0x3] =	stream.indirect_vreg.gather [hbm4b:s4+s3], $0x80, v4, vm0, $0xb8;
	[tilespmem:$0x10080] =	vst v63  }
0x79: {  	_ = 	snop  }
0x7a: {  	[tilespmem:s14], [sflag:$0x3] =	stream.indirect_vreg.gather [hbm4b:s2+s3], $0x80, v3, vm0, $0xb8;
	[tilespmem:$0x10080] =	vst v63  }
0x7b: {  	_ = 	snop  }
0x7c: {  	[tilespmem:s15], [sflag:$0x3] =	stream.indirect_vreg.gather [hbm4b:s4+s3], $0x80, v3, vm0, $0xb8;
	[tilespmem:$0x10080] =	vst v63  }
0x7d: {  	v3 =	vld [tilespmem:$0x60];
	_ =	sdelay $0x4  }
0x7e: {  	v62 =	vshll.u32 v3, $0x2  }
0x7f: {  	v3 =	vand.u32 $0x7, v3;
	v4 =	vand.u32 $0xFFFFFFE0, v62  }
0x80: {  	v3 =	vor.u32 v3, v4  }
0x81: {  	v4 =	vperm.xlane v3, v0;
	_ =	sdelay $0x1  }
0x82: {  	v4 =	vadd.s32 v1, v4;
	_ =	sdelay $0x1  }
0x83: {  	v3 =	vperm.xlane v3, v2;
	_ =	sdelay $0x1  }
0x84: {  	v3 =	vadd.s32 v1, v3  }
0x85: {  	[tilespmem:s16], [sflag:$0x4] =	stream.indirect_vreg.gather [hbm4b:s2+s3], $0x80, v4, vm0, $0xb8;
	[tilespmem:$0x10080] =	vst v63  }
0x86: {  	_ = 	snop  }
0x87: {  	[tilespmem:s17], [sflag:$0x4] =	stream.indirect_vreg.gather [hbm4b:s4+s3], $0x80, v4, vm0, $0xb8;
	[tilespmem:$0x10080] =	vst v63  }
0x88: {  	_ = 	snop  }
0x89: {  	[tilespmem:s18], [sflag:$0x4] =	stream.indirect_vreg.gather [hbm4b:s2+s3], $0x80, v3, vm0, $0xb8;
	[tilespmem:$0x10080] =	vst v63  }
0x8a: {  	_ = 	snop  }
0x8b: {  	[tilespmem:s19], [sflag:$0x4] =	stream.indirect_vreg.gather [hbm4b:s4+s3], $0x80, v3, vm0, $0xb8;
	[tilespmem:$0x10080] =	vst v63  }
0x8c: {  	v3 =	vld [tilespmem:$0x70];
	_ =	sdelay $0x4  }
0x8d: {  	v63 =	vshll.u32 v3, $0x2  }
0x8e: {  	v3 =	vand.u32 $0x7, v3;
	v4 =	vand.u32 $0xFFFFFFE0, v63  }
0x8f: {  	v3 =	vor.u32 v3, v4  }
0x90: {  	v4 =	vperm.xlane v3, v0;
	_ =	sdelay $0x1  }
0x91: {  	v4 =	vadd.s32 v1, v4;
	_ =	sdelay $0x1  }
0x92: {  	v3 =	vperm.xlane v3, v2;
	_ =	sdelay $0x1  }
0x93: {  	v3 =	vadd.s32 v1, v3  }
0x94: {  	[tilespmem:s20], [sflag:$0x4] =	stream.indirect_vreg.gather [hbm4b:s2+s3], $0x80, v4, vm0, $0xb8;
	[tilespmem:$0x10080] =	vst v63  }
0x95: {  	_ = 	snop  }
0x96: {  	[tilespmem:s21], [sflag:$0x4] =	stream.indirect_vreg.gather [hbm4b:s4+s3], $0x80, v4, vm0, $0xb8;
	[tilespmem:$0x10080] =	vst v63  }
0x97: {  	_ = 	snop  }
0x98: {  	[tilespmem:s22], [sflag:$0x4] =	stream.indirect_vreg.gather [hbm4b:s2+s3], $0x80, v3, vm0, $0xb8;
	[tilespmem:$0x10080] =	vst v63  }
0x99: {  	_ = 	snop  }
0x9a: {  	[tilespmem:s23], [sflag:$0x4] =	stream.indirect_vreg.gather [hbm4b:s4+s3], $0x80, v3, vm0, $0xb8;
	[tilespmem:$0x10080] =	vst v63  }
0x9b: {  	_ =	swait.ge [sflag:s24], $0x4000  }
0x9c: {  	[sflag:s24] =	ssyncset.done $0x0  }
0x9d: {  	s10 =	rddreg [dreg:$0x4];
	[sflag:s24] =	ssyncadd.s32 $0xFFFFC000  }
0x9e: {  	[hbm4b:s10+s3] =	stream.linear.scatter [tilespmem:s7], [sflag:$0x5], $0x4000, $0x38;
	[tilespmem:$0x10080] =	vst v63  }
0x9f: {  	_ =	swait.ge [sflag:s25], $0x4000  }
0xa0: {  	[sflag:s25] =	ssyncset.done $0x0  }
0xa1: {  	s10 =	rddreg [dreg:$0x5];
	[sflag:s25] =	ssyncadd.s32 $0xFFFFC000  }
0xa2: {  	[hbm4b:s10+s3] =	stream.linear.scatter [tilespmem:s8], [sflag:$0x6], $0x4000, $0x38;
	[tilespmem:$0x10080] =	vst v63  }
0xa3: {  	_ =	swait.ge [sflag:s26], $0x4000  }
0xa4: {  	[sflag:s26] =	ssyncset.done $0x0  }
0xa5: {  	s10 =	rddreg [dreg:$0x6];
	[sflag:s26] =	ssyncadd.s32 $0xFFFFC000  }
0xa6: {  	[hbm4b:s10+s3] =	stream.linear.scatter [tilespmem:s9], [sflag:$0x7], $0x4000, $0x38;
	[tilespmem:$0x10080] =	vst v63  }
0xa7: {  	_ =	swait.ge [sflag:s28], $0x4000  }
0xa8: {  	[sflag:s28] =	ssyncset.done $0x0  }
0xa9: {  	s10 =	rddreg [dreg:$0x7];
	[sflag:s28] =	ssyncadd.s32 $0xFFFFC000  }
0xaa: {  	[hbm4b:s10+s3] =	stream.linear.scatter [tilespmem:s16], [sflag:$0x8], $0x4000, $0x38;
	[tilespmem:$0x10080] =	vst v63  }
0xab: {  	_ =	swait.ge [sflag:s29], $0x4000  }
0xac: {  	[sflag:s29] =	ssyncset.done $0x0  }
0xad: {  	[sflag:s29] =	ssyncadd.s32 $0xFFFFC000  }
0xae: {  	_ =	swait.ge [sflag:s30], $0x4000  }
0xaf: {  	[sflag:s30] =	ssyncset.done $0x0  }
0xb0: {  	[sflag:s30] =	ssyncadd.s32 $0xFFFFC000  }
0xb1: {  	p0 =	sne.s32 s5, $0x1;
	_ =	swait.ge [sflag:s31], $0x4000  }
.Ltmp0:
0xb2: {  	[sflag:s31] =	ssyncset.done $0x0;
	(pc) =	sbr.rel @p0 .LBB2_1-.Ltmp0, $4  }
0xb3: {  	[sflag:s31] =	ssyncadd.s32 $0xFFFFC000  }
0xb4: {  	_ =	swait.ge [sflag:s0], $0x4000  }
0xb5: {  	[sflag:s0] =	ssyncset.done $0x0  }
0xb6: {  	s5 =	sadd.s32 $0xFFFFFFFF, s5;
	[sflag:s0] =	ssyncadd.s32 $0xFFFFC000  }
0xb7: {  	_ =	sfence.sel $0x180000  }
0xb8: {  	[bflag:$0x0] =	sbarrier.arrive $0xFFFF  }
0xb9: {  	_ =	strace $0x9000004A  }
0xba: {  	s0 =	stileid.u32;
	[bflag:$0x2] =	sbarrier.arrive $0xFFFF  }
0xbb: {  	p0 =	sne.s32 s0, $0x0;
	s0 =	rddreg [dreg:$0x2]  }
0xbc: {  	s0 =	sadd.s32 @!p0 $0x100000, s0  }
0xbd: {  	[sflag:s0] =	ssyncadd.tile.s32 @!p0 $0x1;
	_ =	shalt  }
.Lfunc_end2:
_tile_overlayer_lowered:
.L_overlay_start_2:
0xbe: {  	(tag) =	ssettag $0x2  }
0xbf: {  	s0 =	rddreg [dreg:$0x0];
	s2 =	stileid.u32  }
0xc0: {  	s1 =	rddreg [dreg:$0x1];
	p0 =	sne.s32 s2, $0x0  }
0xc1: {  	s3 =	rddreg [dreg:$0x2];
	[bflag:$0x3] =	sbarrier.arrive $0xFFFF;
	s2 =	simm.s32 @!p0 $0x1C09  }
0xc2: {  	[timem:s3], [sflag:s2] =	dma.local @!p0 [hbm:s0], s1  }
0xc3: {  	s0 =	simm.s32 @!p0 $0x9  }
0xc4: {  	_ =	swait.ge @!p0 [sflag:s0], s1  }
0xc5: {  	s1 =	ssub.s32 @!p0 $0x0, s1;
	[sflag:s0] =	ssyncset.done @!p0 $0x0  }
0xc6: {  	[sflag:s0] =	ssyncadd.s32 @!p0 s1  }
0xc7: {  	[bflag:$0x3] =	sbarrier.arrive $0xFFFF  }
0xc8: {  	_ =	shalt  }

</sc_bundles>
